<compile_context>
chip_gen: v7x
topology: tpu7x:2x2x1
jax: 0.10.2.dev20260603
libtpu: 0.0.44.dev20260713+nightly
codegen_flags: <defaults>
</compile_context>

<pallas_src>
import functools

import jax
import jax.numpy as jnp
from jax import lax
from jax.experimental import pallas as pl
from jax.experimental.pallas import tpu as pltpu
from jax.experimental.pallas import tpu_sc as plsc

N_NODES = 10000
D_IN = 128
D_OUT = 64

NC = 2
NS = 16
NW = NC * NS
K = 128
E = 320000
E_PAD = 327680
CPW = E_PAD // (NW * K)
N_PAD = 10240
ROWS_PER_TILE = N_PAD // NS


def _make_agg(D, with_deg):
  mesh = plsc.VectorSubcoreMesh(core_axis_name="c", subcore_axis_name="s")
  outs = [jax.ShapeDtypeStruct((NC, N_PAD, D), jnp.float32)]
  scratch = [
      pltpu.VMEM((K,), jnp.int32),
      pltpu.VMEM((K,), jnp.int32),
      pltpu.VMEM((K, D), jnp.float32),
      pltpu.VMEM_SHARED((N_PAD, D), jnp.float32),
      pltpu.SemaphoreType.DMA,
  ]
  if with_deg:
    outs.append(jax.ShapeDtypeStruct((NC, N_PAD), jnp.float32))
    scratch += [
        pltpu.VMEM((K,), jnp.float32),
        pltpu.VMEM_SHARED((N_PAD,), jnp.float32),
    ]

  params = {}
  if D % 128 != 0:
    params["compiler_params"] = pltpu.CompilerParams(
        use_tc_tiling_on_sc=False)

  @functools.partial(
      pl.kernel, mesh=mesh, out_type=outs, scratch_types=scratch, **params)
  def agg(table, src2, dst2, znd, zn, *rest):
    if with_deg:
      out, deg_out, sidx, didx, rows, acc, sem, ones, dacc = rest
    else:
      out, sidx, didx, rows, acc, sem = rest
    c = lax.axis_index("c")
    s = lax.axis_index("s")
    wid = c * NS + s
    r0 = s * ROWS_PER_TILE
    pltpu.sync_copy(znd.at[pl.ds(r0, ROWS_PER_TILE)],
                    acc.at[pl.ds(r0, ROWS_PER_TILE)])
    if with_deg:
      pltpu.sync_copy(zn.at[pl.ds(r0, ROWS_PER_TILE)],
                      dacc.at[pl.ds(r0, ROWS_PER_TILE)])
      for j in range(K // 16):
        ones[pl.ds(16 * j, 16)] = jnp.ones((16,), jnp.float32)
    plsc.subcore_barrier()

    def chunk(i, carry):
      r = wid * CPW + i
      pltpu.sync_copy(src2.at[r], sidx)
      pltpu.sync_copy(dst2.at[r], didx)
      pltpu.async_copy(table.at[sidx], rows, sem).wait()
      pltpu.sync_copy(rows, acc.at[didx], add=True)
      if with_deg:
        pltpu.sync_copy(ones, dacc.at[didx], add=True)
      return carry

    lax.fori_loop(0, CPW, chunk, 0)

    plsc.subcore_barrier()
    pltpu.sync_copy(acc.at[pl.ds(r0, ROWS_PER_TILE)],
                    out.at[c, pl.ds(r0, ROWS_PER_TILE)])
    if with_deg:
      pltpu.sync_copy(dacc.at[pl.ds(r0, ROWS_PER_TILE)],
                      deg_out.at[c, pl.ds(r0, ROWS_PER_TILE)])

  return agg


_agg128 = _make_agg(D_IN, with_deg=True)
_agg64 = _make_agg(D_OUT, with_deg=False)


def _mid_body(p0, p1, d0, d1, x, w1l, b1, w1r, w2l, w2r, g_out, r2_out,
              inv_out):
  inv = 1.0 / jnp.maximum(d0[...] + d1[...], 1.0)
  mean = (p0[...] + p1[...]) * inv
  h = jnp.maximum(
      jnp.dot(mean, w1l[...], preferred_element_type=jnp.float32) + b1[...] +
      jnp.dot(x[...], w1r[...], preferred_element_type=jnp.float32), 0.0)
  g_out[...] = jnp.dot(h, w2l[...], preferred_element_type=jnp.float32)
  r2_out[...] = jnp.dot(h, w2r[...], preferred_element_type=jnp.float32)
  inv_out[...] = inv


_mid = pl.pallas_call(
    _mid_body,
    out_shape=[
        jax.ShapeDtypeStruct((N_NODES, D_OUT), jnp.float32),
        jax.ShapeDtypeStruct((N_NODES, D_OUT), jnp.float32),
        jax.ShapeDtypeStruct((N_NODES, 1), jnp.float32),
    ],
)


def _out_body(q0, q1, inv, r2, b2, o):
  z = (q0[...] + q1[...]) * inv[...] + b2[...] + r2[...]
  m = jnp.max(z, axis=1, keepdims=True)
  lse = jnp.log(jnp.sum(jnp.exp(z - m), axis=1, keepdims=True)) + m
  o[...] = z - lse


_outk = pl.pallas_call(
    _out_body,
    out_shape=jax.ShapeDtypeStruct((N_NODES, D_OUT), jnp.float32),
)


def kernel(x, edge_index, W1_l, b1_l, W1_r, W2_l, b2_l, W2_r):
  src = edge_index[0].astype(jnp.int32)
  dst = edge_index[1].astype(jnp.int32)
  pad = E_PAD - E
  src2 = jnp.concatenate([src, jnp.zeros((pad,), jnp.int32)]).reshape(-1, K)
  dst2 = jnp.concatenate(
      [dst, jnp.full((pad,), N_PAD - 1, jnp.int32)]).reshape(-1, K)
  znd = jnp.zeros((N_PAD, D_IN), jnp.float32)
  znd64 = jnp.zeros((N_PAD, D_OUT), jnp.float32)
  zn = jnp.zeros((N_PAD,), jnp.float32)

  p, degp = _agg128(x, src2, dst2, znd, zn)
  g, r2, inv = _mid(p[0, :N_NODES], p[1, :N_NODES],
                    degp[0, :N_NODES, None], degp[1, :N_NODES, None],
                    x, W1_l, b1_l.reshape(1, -1), W1_r, W2_l, W2_r)
  q, = _agg64(g, src2, dst2, znd64, zn)
  out = _outk(q[0, :N_NODES], q[1, :N_NODES], inv, r2, b2_l.reshape(1, -1))
  return out

# --- scband reference (transcript-rebuilt; emitter-appended) ---
"""Pipeline reference for scband-baseline-gnn-79714593014136 (READ-ONLY COPY).

The authoritative reference and input builder live on the scoring server;
editing this copy changes nothing except your own understanding.
"""

import jax, jax.numpy as jnp
import numpy as np

N_NODES = 10000
N_EDGES = 320000
D_IN = 128
D_HID = 128
D_OUT = 64


def setup_inputs(seed: int = 0) -> dict:
    key = jax.random.key(seed)
    k_x, k_e, k1, k2, k3, k4, k5, k6 = jax.random.split(key, 8)
    x = jax.random.normal(k_x, (N_NODES, D_IN), dtype=jnp.float32)
    edge_index = jax.random.randint(k_e, (2, N_EDGES), 0, N_NODES, dtype=jnp.int64)
    s1 = 1.0 / np.sqrt(D_IN)
    s2 = 1.0 / np.sqrt(D_HID)
    # SAGEConv layer 1: 128 -> 128 (lin_l applied to aggregated neighbors, lin_r to root)
    W1_l = jax.random.uniform(k1, (D_IN, D_HID), jnp.float32, -s1, s1)
    b1_l = jnp.zeros((D_HID,), dtype=jnp.float32)
    W1_r = jax.random.uniform(k2, (D_IN, D_HID), jnp.float32, -s1, s1)
    # SAGEConv layer 2: 128 -> 64
    W2_l = jax.random.uniform(k3, (D_HID, D_OUT), jnp.float32, -s2, s2)
    b2_l = jnp.zeros((D_OUT,), dtype=jnp.float32)
    W2_r = jax.random.uniform(k4, (D_HID, D_OUT), jnp.float32, -s2, s2)
    return {"x": x, "edge_index": edge_index,
            "W1_l": W1_l, "b1_l": b1_l, "W1_r": W1_r,
            "W2_l": W2_l, "b2_l": b2_l, "W2_r": W2_r}


def _sage_conv(x, edge_index, W_l, b_l, W_r):
    # PyG SAGEConv with mean aggregation:
    # out = lin_l(mean_{j in N(i)} x_j) + lin_r(x_i)
    src = edge_index[0]
    dst = edge_index[1]
    msg = jnp.take(x, src, axis=0)                      # gather  [E, d]
    agg = jax.ops.segment_sum(msg, dst, num_segments=N_NODES)  # scatter-add
    deg = jax.ops.segment_sum(jnp.ones((edge_index.shape[1],), dtype=x.dtype),
                              dst, num_segments=N_NODES)
    mean = agg / jnp.clip(deg, 1.0, None)[:, None]
    return mean @ W_l + b_l + x @ W_r


def reference(x, edge_index, W1_l, b1_l, W1_r, W2_l, b2_l, W2_r):
    # Baseline_GNN (SAGE), eval mode: dropout is identity.
    embed = _sage_conv(x, edge_index, W1_l, b1_l, W1_r)
    embed = jax.nn.relu(embed)
    embed = _sage_conv(embed, edge_index, W2_l, b2_l, W2_r)
    out = jax.nn.log_softmax(embed, axis=1)
    return out

if __name__ == "__main__":
    import jax
    _d = setup_inputs()
    print(jax.jit(kernel)(*tuple(_d.values())))

</pallas_src>

<mosaic_0001>
#map = affine_map<(d0, d1) -> (0, 0)>
#map1 = affine_map<(d0, d1) -> (0)>
#map2 = affine_map<(d0, d1) -> (0, 0, 0)>
module attributes {stable_mosaic.version = 14 : i64} {
  func.func @agg(%arg0: i32, %arg1: i32, %arg2: memref<10000x64xf32, #tpu.memory_space<hbm>>, %arg3: memref<2560x128xi32, #tpu.memory_space<hbm>>, %arg4: memref<2560x128xi32, #tpu.memory_space<hbm>>, %arg5: memref<10240x64xf32, #tpu.memory_space<hbm>>, %arg6: memref<10240xf32, #tpu.memory_space<hbm>>, %arg7: memref<2x10240x64xf32, #tpu.memory_space<hbm>>, %arg8: memref<128xi32, #tpu.memory_space<vmem>>, %arg9: memref<128xi32, #tpu.memory_space<vmem>>, %arg10: memref<128x64xf32, #tpu.memory_space<vmem>>, %arg11: memref<10240x64xf32, #tpu.memory_space<vmem_shared>>, %arg12: memref<!tpu.dma_semaphore, #tpu.memory_space<semaphore_mem>>) attributes {dimension_semantics = [#tpu.dimension_semantics<core_parallel>, #tpu.dimension_semantics<subcore_parallel>], iteration_bounds = array<i64: 2, 16>, scalar_prefetch = 0 : i64, scratch_operands = 5 : i64, tpu.core_type = #tpu.core_type<sc_vector_subcore>, window_params = [{transform_indices = #map}, {transform_indices = #map}, {transform_indices = #map}, {transform_indices = #map}, {transform_indices = #map1}, {transform_indices = #map2}]} {
    %mul3A = arith.constant 16 : i32
    %mul3A_0 = arith.muli %arg0, %mul3A : i32
    %add3A = arith.addi %mul3A_0, %arg1 : i32
    %mul3A_1 = arith.constant 640 : i32
    %mul3A_2 = arith.muli %arg1, %mul3A_1 : i32
    "tpu.region"() ({
      %run_scoped3A = tpu.sem_alloc : memref<!tpu.dma_semaphore, #tpu.memory_space<semaphore_mem>>
      %dma_start3A = arith.constant 0 : i32
      %dma_start3A_9 = tpu.memref_slice %arg11[%mul3A_2, %dma_start3A] : memref<10240x64xf32, #tpu.memory_space<vmem_shared>> -> memref<640x64xf32, #tpu.memory_space<vmem_shared>>
      %dma_start3A_10 = arith.constant 0 : i32
      %dma_start3A_11 = tpu.memref_slice %arg5[%mul3A_2, %dma_start3A_10] : memref<10240x64xf32, #tpu.memory_space<hbm>> -> memref<640x64xf32, #tpu.memory_space<hbm>>
      tpu.enqueue_dma source(%dma_start3A_11 : memref<640x64xf32, #tpu.memory_space<hbm>>) target(%dma_start3A_9 : memref<640x64xf32, #tpu.memory_space<vmem_shared>>) target_semaphore(%run_scoped3A : memref<!tpu.dma_semaphore, #tpu.memory_space<semaphore_mem>>)
      %dma_wait3A = arith.constant 0 : i32
      %dma_wait3A_12 = tpu.memref_slice %arg11[%mul3A_2, %dma_wait3A] : memref<10240x64xf32, #tpu.memory_space<vmem_shared>> -> memref<640x64xf32, #tpu.memory_space<vmem_shared>>
      %dma_wait3A_13 = arith.constant 0 : i32
      %dma_wait3A_14 = tpu.memref_slice %arg5[%mul3A_2, %dma_wait3A_13] : memref<10240x64xf32, #tpu.memory_space<hbm>> -> memref<640x64xf32, #tpu.memory_space<hbm>>
      tpu.wait_dma2 semaphore(%run_scoped3A : memref<!tpu.dma_semaphore, #tpu.memory_space<semaphore_mem>>) src(%dma_wait3A_14 : memref<640x64xf32, #tpu.memory_space<hbm>>) dst(%dma_wait3A_12 : memref<640x64xf32, #tpu.memory_space<vmem_shared>>)
      tpu.yield
    }) : () -> ()
    %barrier3A = arith.constant 0 : index
    tpu.barrier barrier_id(%barrier3A)
    %scan3A = arith.constant 0 : i32
    %scan3A_3 = arith.constant 0 : i32
    %scan3A_4 = arith.constant 80 : i32
    %scan3A_5 = arith.addi %scan3A_3, %scan3A_4 : i32
    %scan3A_6 = arith.constant 1 : i32
    scf.for %scan3A_9 = %scan3A_3 to %scan3A_5 step %scan3A_6  : i32 {
      %mul3A_10 = arith.constant 80 : i32
      %mul3A_11 = arith.muli %add3A, %mul3A_10 : i32
      %add3A_12 = arith.addi %mul3A_11, %scan3A_9 : i32
      "tpu.region"() ({
        %run_scoped3A = tpu.sem_alloc : memref<!tpu.dma_semaphore, #tpu.memory_space<semaphore_mem>>
        %dma_start3A_17 = arith.constant 0 : i32
        %dma_start3A_18 = tpu.memref_slice %arg3[%add3A_12, %dma_start3A_17] : memref<2560x128xi32, #tpu.memory_space<hbm>> -> memref<1x128xi32, #tpu.memory_space<hbm>>
        %dma_start3A_19 = tpu.memref_squeeze %dma_start3A_18 : memref<1x128xi32, #tpu.memory_space<hbm>> -> memref<128xi32, #tpu.memory_space<hbm>>
        %dma_start3A_20 = arith.constant 0 : i32
        %dma_start3A_21 = tpu.memref_slice %arg3[%add3A_12, %dma_start3A_20] : memref<2560x128xi32, #tpu.memory_space<hbm>> -> memref<1x128xi32, #tpu.memory_space<hbm>>
        %dma_start3A_22 = tpu.memref_squeeze %dma_start3A_21 : memref<1x128xi32, #tpu.memory_space<hbm>> -> memref<128xi32, #tpu.memory_space<hbm>>
        tpu.enqueue_dma source(%dma_start3A_22 : memref<128xi32, #tpu.memory_space<hbm>>) target(%arg8 : memref<128xi32, #tpu.memory_space<vmem>>) target_semaphore(%run_scoped3A : memref<!tpu.dma_semaphore, #tpu.memory_space<semaphore_mem>>)
        %dma_wait3A_23 = arith.constant 0 : i32
        %dma_wait3A_24 = tpu.memref_slice %arg3[%add3A_12, %dma_wait3A_23] : memref<2560x128xi32, #tpu.memory_space<hbm>> -> memref<1x128xi32, #tpu.memory_space<hbm>>
        %dma_wait3A_25 = tpu.memref_squeeze %dma_wait3A_24 : memref<1x128xi32, #tpu.memory_space<hbm>> -> memref<128xi32, #tpu.memory_space<hbm>>
        %dma_wait3A_26 = arith.constant 0 : i32
        %dma_wait3A_27 = tpu.memref_slice %arg3[%add3A_12, %dma_wait3A_26] : memref<2560x128xi32, #tpu.memory_space<hbm>> -> memref<1x128xi32, #tpu.memory_space<hbm>>
        %dma_wait3A_28 = tpu.memref_squeeze %dma_wait3A_27 : memref<1x128xi32, #tpu.memory_space<hbm>> -> memref<128xi32, #tpu.memory_space<hbm>>
        tpu.wait_dma2 semaphore(%run_scoped3A : memref<!tpu.dma_semaphore, #tpu.memory_space<semaphore_mem>>) src(%dma_wait3A_28 : memref<128xi32, #tpu.memory_space<hbm>>) dst(%arg8 : memref<128xi32, #tpu.memory_space<vmem>>)
        tpu.yield
      }) : () -> ()
      "tpu.region"() ({
        %run_scoped3A = tpu.sem_alloc : memref<!tpu.dma_semaphore, #tpu.memory_space<semaphore_mem>>
        %dma_start3A_17 = arith.constant 0 : i32
        %dma_start3A_18 = tpu.memref_slice %arg4[%add3A_12, %dma_start3A_17] : memref<2560x128xi32, #tpu.memory_space<hbm>> -> memref<1x128xi32, #tpu.memory_space<hbm>>
        %dma_start3A_19 = tpu.memref_squeeze %dma_start3A_18 : memref<1x128xi32, #tpu.memory_space<hbm>> -> memref<128xi32, #tpu.memory_space<hbm>>
        %dma_start3A_20 = arith.constant 0 : i32
        %dma_start3A_21 = tpu.memref_slice %arg4[%add3A_12, %dma_start3A_20] : memref<2560x128xi32, #tpu.memory_space<hbm>> -> memref<1x128xi32, #tpu.memory_space<hbm>>
        %dma_start3A_22 = tpu.memref_squeeze %dma_start3A_21 : memref<1x128xi32, #tpu.memory_space<hbm>> -> memref<128xi32, #tpu.memory_space<hbm>>
        tpu.enqueue_dma source(%dma_start3A_22 : memref<128xi32, #tpu.memory_space<hbm>>) target(%arg9 : memref<128xi32, #tpu.memory_space<vmem>>) target_semaphore(%run_scoped3A : memref<!tpu.dma_semaphore, #tpu.memory_space<semaphore_mem>>)
        %dma_wait3A_23 = arith.constant 0 : i32
        %dma_wait3A_24 = tpu.memref_slice %arg4[%add3A_12, %dma_wait3A_23] : memref<2560x128xi32, #tpu.memory_space<hbm>> -> memref<1x128xi32, #tpu.memory_space<hbm>>
        %dma_wait3A_25 = tpu.memref_squeeze %dma_wait3A_24 : memref<1x128xi32, #tpu.memory_space<hbm>> -> memref<128xi32, #tpu.memory_space<hbm>>
        %dma_wait3A_26 = arith.constant 0 : i32
        %dma_wait3A_27 = tpu.memref_slice %arg4[%add3A_12, %dma_wait3A_26] : memref<2560x128xi32, #tpu.memory_space<hbm>> -> memref<1x128xi32, #tpu.memory_space<hbm>>
        %dma_wait3A_28 = tpu.memref_squeeze %dma_wait3A_27 : memref<1x128xi32, #tpu.memory_space<hbm>> -> memref<128xi32, #tpu.memory_space<hbm>>
        tpu.wait_dma2 semaphore(%run_scoped3A : memref<!tpu.dma_semaphore, #tpu.memory_space<semaphore_mem>>) src(%dma_wait3A_28 : memref<128xi32, #tpu.memory_space<hbm>>) dst(%arg9 : memref<128xi32, #tpu.memory_space<vmem>>)
        tpu.yield
      }) : () -> ()
      %dma_start3A = arith.constant 0 : i32
      %dma_start3A_13 = arith.constant 0 : i32
      %dma_start3A_14 = tpu.memref_slice %arg2[%dma_start3A, %dma_start3A_13] : memref<10000x64xf32, #tpu.memory_space<hbm>> -> memref<10000x64xf32, #tpu.memory_space<hbm>>
      tpu.enqueue_indirect_dma source(%dma_start3A_14 : memref<10000x64xf32, #tpu.memory_space<hbm>>) target(%arg10 : memref<128x64xf32, #tpu.memory_space<vmem>>) offsets(%arg8 : memref<128xi32, #tpu.memory_space<vmem>>) semaphore(%arg12 : memref<!tpu.dma_semaphore, #tpu.memory_space<semaphore_mem>>)
      %dma_wait3A = arith.constant 0 : i32
      %dma_wait3A_15 = arith.constant 0 : i32
      %dma_wait3A_16 = tpu.memref_slice %arg2[%dma_wait3A, %dma_wait3A_15] : memref<10000x64xf32, #tpu.memory_space<hbm>> -> memref<10000x64xf32, #tpu.memory_space<hbm>>
      tpu.wait_indirect_dma semaphore(%arg12 : memref<!tpu.dma_semaphore, #tpu.memory_space<semaphore_mem>>) src(%dma_wait3A_16 : memref<10000x64xf32, #tpu.memory_space<hbm>>) dst(%arg10 : memref<128x64xf32, #tpu.memory_space<vmem>>)
      "tpu.region"() ({
        %run_scoped3A = tpu.sem_alloc : memref<!tpu.dma_semaphore, #tpu.memory_space<semaphore_mem>>
        %dma_start3A_17 = arith.constant 0 : i32
        %dma_start3A_18 = arith.constant 0 : i32
        %dma_start3A_19 = tpu.memref_slice %arg11[%dma_start3A_17, %dma_start3A_18] : memref<10240x64xf32, #tpu.memory_space<vmem_shared>> -> memref<10240x64xf32, #tpu.memory_space<vmem_shared>>
        tpu.enqueue_indirect_dma source(%arg10 : memref<128x64xf32, #tpu.memory_space<vmem>>) target(%dma_start3A_19 : memref<10240x64xf32, #tpu.memory_space<vmem_shared>>) offsets(%arg9 : memref<128xi32, #tpu.memory_space<vmem>>) semaphore(%run_scoped3A : memref<!tpu.dma_semaphore, #tpu.memory_space<semaphore_mem>>) {add = true}
        %dma_wait3A_20 = arith.constant 0 : i32
        %dma_wait3A_21 = arith.constant 0 : i32
        %dma_wait3A_22 = tpu.memref_slice %arg11[%dma_wait3A_20, %dma_wait3A_21] : memref<10240x64xf32, #tpu.memory_space<vmem_shared>> -> memref<10240x64xf32, #tpu.memory_space<vmem_shared>>
        tpu.wait_indirect_dma semaphore(%run_scoped3A : memref<!tpu.dma_semaphore, #tpu.memory_space<semaphore_mem>>) src(%arg10 : memref<128x64xf32, #tpu.memory_space<vmem>>) dst(%dma_wait3A_22 : memref<10240x64xf32, #tpu.memory_space<vmem_shared>>)
        tpu.yield
      }) : () -> ()
    }
    %scan3A_7 = arith.constant 80 : i32
    %barrier3A_8 = arith.constant 0 : index
    tpu.barrier barrier_id(%barrier3A_8)
    "tpu.region"() ({
      %run_scoped3A = tpu.sem_alloc : memref<!tpu.dma_semaphore, #tpu.memory_space<semaphore_mem>>
      %dma_start3A = arith.constant 0 : i32
      %dma_start3A_9 = tpu.memref_slice %arg7[%arg0, %mul3A_2, %dma_start3A] : memref<2x10240x64xf32, #tpu.memory_space<hbm>> -> memref<1x640x64xf32, #tpu.memory_space<hbm>>
      %dma_start3A_10 = tpu.memref_squeeze %dma_start3A_9 : memref<1x640x64xf32, #tpu.memory_space<hbm>> -> memref<640x64xf32, #tpu.memory_space<hbm>>
      %dma_start3A_11 = arith.constant 0 : i32
      %dma_start3A_12 = tpu.memref_slice %arg11[%mul3A_2, %dma_start3A_11] : memref<10240x64xf32, #tpu.memory_space<vmem_shared>> -> memref<640x64xf32, #tpu.memory_space<vmem_shared>>
      tpu.enqueue_dma source(%dma_start3A_12 : memref<640x64xf32, #tpu.memory_space<vmem_shared>>) target(%dma_start3A_10 : memref<640x64xf32, #tpu.memory_space<hbm>>) target_semaphore(%run_scoped3A : memref<!tpu.dma_semaphore, #tpu.memory_space<semaphore_mem>>)
      %dma_wait3A = arith.constant 0 : i32
      %dma_wait3A_13 = tpu.memref_slice %arg7[%arg0, %mul3A_2, %dma_wait3A] : memref<2x10240x64xf32, #tpu.memory_space<hbm>> -> memref<1x640x64xf32, #tpu.memory_space<hbm>>
      %dma_wait3A_14 = tpu.memref_squeeze %dma_wait3A_13 : memref<1x640x64xf32, #tpu.memory_space<hbm>> -> memref<640x64xf32, #tpu.memory_space<hbm>>
      %dma_wait3A_15 = arith.constant 0 : i32
      %dma_wait3A_16 = tpu.memref_slice %arg11[%mul3A_2, %dma_wait3A_15] : memref<10240x64xf32, #tpu.memory_space<vmem_shared>> -> memref<640x64xf32, #tpu.memory_space<vmem_shared>>
      tpu.wait_dma2 semaphore(%run_scoped3A : memref<!tpu.dma_semaphore, #tpu.memory_space<semaphore_mem>>) src(%dma_wait3A_16 : memref<640x64xf32, #tpu.memory_space<vmem_shared>>) dst(%dma_wait3A_14 : memref<640x64xf32, #tpu.memory_space<hbm>>)
      tpu.yield
    }) : () -> ()
    return
  }
}

#map = affine_map<(d0, d1) -> (0, 0)>
#map1 = affine_map<(d0, d1) -> (0)>
#map2 = affine_map<(d0, d1) -> (0, 0, 0)>
module attributes {stable_mosaic.version = 14 : i64} {
  func.func @agg(%arg0: i32, %arg1: i32, %arg2: memref<10000x128xf32, #tpu.memory_space<hbm>>, %arg3: memref<2560x128xi32, #tpu.memory_space<hbm>>, %arg4: memref<2560x128xi32, #tpu.memory_space<hbm>>, %arg5: memref<10240x128xf32, #tpu.memory_space<hbm>>, %arg6: memref<10240xf32, #tpu.memory_space<hbm>>, %arg7: memref<2x10240x128xf32, #tpu.memory_space<hbm>>, %arg8: memref<2x10240xf32, #tpu.memory_space<hbm>>, %arg9: memref<128xi32, #tpu.memory_space<vmem>>, %arg10: memref<128xi32, #tpu.memory_space<vmem>>, %arg11: memref<128x128xf32, #tpu.memory_space<vmem>>, %arg12: memref<10240x128xf32, #tpu.memory_space<vmem_shared>>, %arg13: memref<!tpu.dma_semaphore, #tpu.memory_space<semaphore_mem>>, %arg14: memref<128xf32, #tpu.memory_space<vmem>>, %arg15: memref<10240xf32, #tpu.memory_space<vmem_shared>>) attributes {dimension_semantics = [#tpu.dimension_semantics<core_parallel>, #tpu.dimension_semantics<subcore_parallel>], iteration_bounds = array<i64: 2, 16>, scalar_prefetch = 0 : i64, scratch_operands = 7 : i64, tpu.core_type = #tpu.core_type<sc_vector_subcore>, window_params = [{transform_indices = #map}, {transform_indices = #map}, {transform_indices = #map}, {transform_indices = #map}, {transform_indices = #map1}, {transform_indices = #map2}, {transform_indices = #map}]} {
    %mul3A = arith.constant 16 : i32
    %mul3A_0 = arith.muli %arg0, %mul3A : i32
    %add3A = arith.addi %mul3A_0, %arg1 : i32
    %mul3A_1 = arith.constant 640 : i32
    %mul3A_2 = arith.muli %arg1, %mul3A_1 : i32
    "tpu.region"() ({
      %run_scoped3A = tpu.sem_alloc : memref<!tpu.dma_semaphore, #tpu.memory_space<semaphore_mem>>
      %dma_start3A = arith.constant 0 : i32
      %dma_start3A_55 = tpu.memref_slice %arg12[%mul3A_2, %dma_start3A] : memref<10240x128xf32, #tpu.memory_space<vmem_shared>> -> memref<640x128xf32, #tpu.memory_space<vmem_shared>>
      %dma_start3A_56 = arith.constant 0 : i32
      %dma_start3A_57 = tpu.memref_slice %arg5[%mul3A_2, %dma_start3A_56] : memref<10240x128xf32, #tpu.memory_space<hbm>> -> memref<640x128xf32, #tpu.memory_space<hbm>>
      tpu.enqueue_dma source(%dma_start3A_57 : memref<640x128xf32, #tpu.memory_space<hbm>>) target(%dma_start3A_55 : memref<640x128xf32, #tpu.memory_space<vmem_shared>>) target_semaphore(%run_scoped3A : memref<!tpu.dma_semaphore, #tpu.memory_space<semaphore_mem>>)
      %dma_wait3A = arith.constant 0 : i32
      %dma_wait3A_58 = tpu.memref_slice %arg12[%mul3A_2, %dma_wait3A] : memref<10240x128xf32, #tpu.memory_space<vmem_shared>> -> memref<640x128xf32, #tpu.memory_space<vmem_shared>>
      %dma_wait3A_59 = arith.constant 0 : i32
      %dma_wait3A_60 = tpu.memref_slice %arg5[%mul3A_2, %dma_wait3A_59] : memref<10240x128xf32, #tpu.memory_space<hbm>> -> memref<640x128xf32, #tpu.memory_space<hbm>>
      tpu.wait_dma2 semaphore(%run_scoped3A : memref<!tpu.dma_semaphore, #tpu.memory_space<semaphore_mem>>) src(%dma_wait3A_60 : memref<640x128xf32, #tpu.memory_space<hbm>>) dst(%dma_wait3A_58 : memref<640x128xf32, #tpu.memory_space<vmem_shared>>)
      tpu.yield
    }) : () -> ()
    "tpu.region"() ({
      %run_scoped3A = tpu.sem_alloc : memref<!tpu.dma_semaphore, #tpu.memory_space<semaphore_mem>>
      %dma_start3A = tpu.memref_slice %arg15[%mul3A_2] : memref<10240xf32, #tpu.memory_space<vmem_shared>> -> memref<640xf32, #tpu.memory_space<vmem_shared>>
      %dma_start3A_55 = tpu.memref_slice %arg6[%mul3A_2] : memref<10240xf32, #tpu.memory_space<hbm>> -> memref<640xf32, #tpu.memory_space<hbm>>
      tpu.enqueue_dma source(%dma_start3A_55 : memref<640xf32, #tpu.memory_space<hbm>>) target(%dma_start3A : memref<640xf32, #tpu.memory_space<vmem_shared>>) target_semaphore(%run_scoped3A : memref<!tpu.dma_semaphore, #tpu.memory_space<semaphore_mem>>)
      %dma_wait3A = tpu.memref_slice %arg15[%mul3A_2] : memref<10240xf32, #tpu.memory_space<vmem_shared>> -> memref<640xf32, #tpu.memory_space<vmem_shared>>
      %dma_wait3A_56 = tpu.memref_slice %arg6[%mul3A_2] : memref<10240xf32, #tpu.memory_space<hbm>> -> memref<640xf32, #tpu.memory_space<hbm>>
      tpu.wait_dma2 semaphore(%run_scoped3A : memref<!tpu.dma_semaphore, #tpu.memory_space<semaphore_mem>>) src(%dma_wait3A_56 : memref<640xf32, #tpu.memory_space<hbm>>) dst(%dma_wait3A : memref<640xf32, #tpu.memory_space<vmem_shared>>)
      tpu.yield
    }) : () -> ()
    %broadcast_in_dim3A = arith.constant 1.000000e+00 : f32
    %broadcast_in_dim3A_3 = vector.broadcast %broadcast_in_dim3A : f32 to vector<16xf32>
    %swap3A = arith.constant 0 : index
    %swap3A_4 = tpu.vector_load %arg14[%swap3A] {strides = array<i32>} : memref<128xf32, #tpu.memory_space<vmem>>, vector<16xf32>,
    %swap3A_5 = vector.shape_cast %swap3A_4 : vector<16xf32> to vector<16xf32>
    %swap3A_6 = vector.shape_cast %broadcast_in_dim3A_3 : vector<16xf32> to vector<16xf32>
    tpu.vector_store %arg14[%swap3A], %swap3A_6 {strides = array<i32>} : memref<128xf32, #tpu.memory_space<vmem>>, vector<16xf32>,
    %broadcast_in_dim3A_7 = arith.constant 1.000000e+00 : f32
    %broadcast_in_dim3A_8 = vector.broadcast %broadcast_in_dim3A_7 : f32 to vector<16xf32>
    %swap3A_9 = arith.constant 16 : index
    %swap3A_10 = tpu.vector_load %arg14[%swap3A_9] {strides = array<i32>} : memref<128xf32, #tpu.memory_space<vmem>>, vector<16xf32>,
    %swap3A_11 = vector.shape_cast %swap3A_10 : vector<16xf32> to vector<16xf32>
    %swap3A_12 = vector.shape_cast %broadcast_in_dim3A_8 : vector<16xf32> to vector<16xf32>
    tpu.vector_store %arg14[%swap3A_9], %swap3A_12 {strides = array<i32>} : memref<128xf32, #tpu.memory_space<vmem>>, vector<16xf32>,
    %broadcast_in_dim3A_13 = arith.constant 1.000000e+00 : f32
    %broadcast_in_dim3A_14 = vector.broadcast %broadcast_in_dim3A_13 : f32 to vector<16xf32>
    %swap3A_15 = arith.constant 32 : index
    %swap3A_16 = tpu.vector_load %arg14[%swap3A_15] {strides = array<i32>} : memref<128xf32, #tpu.memory_space<vmem>>, vector<16xf32>,
    %swap3A_17 = vector.shape_cast %swap3A_16 : vector<16xf32> to vector<16xf32>
    %swap3A_18 = vector.shape_cast %broadcast_in_dim3A_14 : vector<16xf32> to vector<16xf32>
    tpu.vector_store %arg14[%swap3A_15], %swap3A_18 {strides = array<i32>} : memref<128xf32, #tpu.memory_space<vmem>>, vector<16xf32>,
    %broadcast_in_dim3A_19 = arith.constant 1.000000e+00 : f32
    %broadcast_in_dim3A_20 = vector.broadcast %broadcast_in_dim3A_19 : f32 to vector<16xf32>
    %swap3A_21 = arith.constant 48 : index
    %swap3A_22 = tpu.vector_load %arg14[%swap3A_21] {strides = array<i32>} : memref<128xf32, #tpu.memory_space<vmem>>, vector<16xf32>,
    %swap3A_23 = vector.shape_cast %swap3A_22 : vector<16xf32> to vector<16xf32>
    %swap3A_24 = vector.shape_cast %broadcast_in_dim3A_20 : vector<16xf32> to vector<16xf32>
    tpu.vector_store %arg14[%swap3A_21], %swap3A_24 {strides = array<i32>} : memref<128xf32, #tpu.memory_space<vmem>>, vector<16xf32>,
    %broadcast_in_dim3A_25 = arith.constant 1.000000e+00 : f32
    %broadcast_in_dim3A_26 = vector.broadcast %broadcast_in_dim3A_25 : f32 to vector<16xf32>
    %swap3A_27 = arith.constant 64 : index
    %swap3A_28 = tpu.vector_load %arg14[%swap3A_27] {strides = array<i32>} : memref<128xf32, #tpu.memory_space<vmem>>, vector<16xf32>,
    %swap3A_29 = vector.shape_cast %swap3A_28 : vector<16xf32> to vector<16xf32>
    %swap3A_30 = vector.shape_cast %broadcast_in_dim3A_26 : vector<16xf32> to vector<16xf32>
    tpu.vector_store %arg14[%swap3A_27], %swap3A_30 {strides = array<i32>} : memref<128xf32, #tpu.memory_space<vmem>>, vector<16xf32>,
    %broadcast_in_dim3A_31 = arith.constant 1.000000e+00 : f32
    %broadcast_in_dim3A_32 = vector.broadcast %broadcast_in_dim3A_31 : f32 to vector<16xf32>
    %swap3A_33 = arith.constant 80 : index
    %swap3A_34 = tpu.vector_load %arg14[%swap3A_33] {strides = array<i32>} : memref<128xf32, #tpu.memory_space<vmem>>, vector<16xf32>,
    %swap3A_35 = vector.shape_cast %swap3A_34 : vector<16xf32> to vector<16xf32>
    %swap3A_36 = vector.shape_cast %broadcast_in_dim3A_32 : vector<16xf32> to vector<16xf32>
    tpu.vector_store %arg14[%swap3A_33], %swap3A_36 {strides = array<i32>} : memref<128xf32, #tpu.memory_space<vmem>>, vector<16xf32>,
    %broadcast_in_dim3A_37 = arith.constant 1.000000e+00 : f32
    %broadcast_in_dim3A_38 = vector.broadcast %broadcast_in_dim3A_37 : f32 to vector<16xf32>
    %swap3A_39 = arith.constant 96 : index
    %swap3A_40 = tpu.vector_load %arg14[%swap3A_39] {strides = array<i32>} : memref<128xf32, #tpu.memory_space<vmem>>, vector<16xf32>,
    %swap3A_41 = vector.shape_cast %swap3A_40 : vector<16xf32> to vector<16xf32>
    %swap3A_42 = vector.shape_cast %broadcast_in_dim3A_38 : vector<16xf32> to vector<16xf32>
    tpu.vector_store %arg14[%swap3A_39], %swap3A_42 {strides = array<i32>} : memref<128xf32, #tpu.memory_space<vmem>>, vector<16xf32>,
    %broadcast_in_dim3A_43 = arith.constant 1.000000e+00 : f32
    %broadcast_in_dim3A_44 = vector.broadcast %broadcast_in_dim3A_43 : f32 to vector<16xf32>
    %swap3A_45 = arith.constant 112 : index
    %swap3A_46 = tpu.vector_load %arg14[%swap3A_45] {strides = array<i32>} : memref<128xf32, #tpu.memory_space<vmem>>, vector<16xf32>,
    %swap3A_47 = vector.shape_cast %swap3A_46 : vector<16xf32> to vector<16xf32>
    %swap3A_48 = vector.shape_cast %broadcast_in_dim3A_44 : vector<16xf32> to vector<16xf32>
    tpu.vector_store %arg14[%swap3A_45], %swap3A_48 {strides = array<i32>} : memref<128xf32, #tpu.memory_space<vmem>>, vector<16xf32>,
    %barrier3A = arith.constant 0 : index
    tpu.barrier barrier_id(%barrier3A)
    %scan3A = arith.constant 0 : i32
    %scan3A_49 = arith.constant 0 : i32
    %scan3A_50 = arith.constant 80 : i32
    %scan3A_51 = arith.addi %scan3A_49, %scan3A_50 : i32
    %scan3A_52 = arith.constant 1 : i32
    scf.for %scan3A_55 = %scan3A_49 to %scan3A_51 step %scan3A_52  : i32 {
      %mul3A_56 = arith.constant 80 : i32
      %mul3A_57 = arith.muli %add3A, %mul3A_56 : i32
      %add3A_58 = arith.addi %mul3A_57, %scan3A_55 : i32
      "tpu.region"() ({
        %run_scoped3A = tpu.sem_alloc : memref<!tpu.dma_semaphore, #tpu.memory_space<semaphore_mem>>
        %dma_start3A_63 = arith.constant 0 : i32
        %dma_start3A_64 = tpu.memref_slice %arg3[%add3A_58, %dma_start3A_63] : memref<2560x128xi32, #tpu.memory_space<hbm>> -> memref<1x128xi32, #tpu.memory_space<hbm>>
        %dma_start3A_65 = tpu.memref_squeeze %dma_start3A_64 : memref<1x128xi32, #tpu.memory_space<hbm>> -> memref<128xi32, #tpu.memory_space<hbm>>
        %dma_start3A_66 = arith.constant 0 : i32
        %dma_start3A_67 = tpu.memref_slice %arg3[%add3A_58, %dma_start3A_66] : memref<2560x128xi32, #tpu.memory_space<hbm>> -> memref<1x128xi32, #tpu.memory_space<hbm>>
        %dma_start3A_68 = tpu.memref_squeeze %dma_start3A_67 : memref<1x128xi32, #tpu.memory_space<hbm>> -> memref<128xi32, #tpu.memory_space<hbm>>
        tpu.enqueue_dma source(%dma_start3A_68 : memref<128xi32, #tpu.memory_space<hbm>>) target(%arg9 : memref<128xi32, #tpu.memory_space<vmem>>) target_semaphore(%run_scoped3A : memref<!tpu.dma_semaphore, #tpu.memory_space<semaphore_mem>>)
        %dma_wait3A_69 = arith.constant 0 : i32
        %dma_wait3A_70 = tpu.memref_slice %arg3[%add3A_58, %dma_wait3A_69] : memref<2560x128xi32, #tpu.memory_space<hbm>> -> memref<1x128xi32, #tpu.memory_space<hbm>>
        %dma_wait3A_71 = tpu.memref_squeeze %dma_wait3A_70 : memref<1x128xi32, #tpu.memory_space<hbm>> -> memref<128xi32, #tpu.memory_space<hbm>>
        %dma_wait3A_72 = arith.constant 0 : i32
        %dma_wait3A_73 = tpu.memref_slice %arg3[%add3A_58, %dma_wait3A_72] : memref<2560x128xi32, #tpu.memory_space<hbm>> -> memref<1x128xi32, #tpu.memory_space<hbm>>
        %dma_wait3A_74 = tpu.memref_squeeze %dma_wait3A_73 : memref<1x128xi32, #tpu.memory_space<hbm>> -> memref<128xi32, #tpu.memory_space<hbm>>
        tpu.wait_dma2 semaphore(%run_scoped3A : memref<!tpu.dma_semaphore, #tpu.memory_space<semaphore_mem>>) src(%dma_wait3A_74 : memref<128xi32, #tpu.memory_space<hbm>>) dst(%arg9 : memref<128xi32, #tpu.memory_space<vmem>>)
        tpu.yield
      }) : () -> ()
      "tpu.region"() ({
        %run_scoped3A = tpu.sem_alloc : memref<!tpu.dma_semaphore, #tpu.memory_space<semaphore_mem>>
        %dma_start3A_63 = arith.constant 0 : i32
        %dma_start3A_64 = tpu.memref_slice %arg4[%add3A_58, %dma_start3A_63] : memref<2560x128xi32, #tpu.memory_space<hbm>> -> memref<1x128xi32, #tpu.memory_space<hbm>>
        %dma_start3A_65 = tpu.memref_squeeze %dma_start3A_64 : memref<1x128xi32, #tpu.memory_space<hbm>> -> memref<128xi32, #tpu.memory_space<hbm>>
        %dma_start3A_66 = arith.constant 0 : i32
        %dma_start3A_67 = tpu.memref_slice %arg4[%add3A_58, %dma_start3A_66] : memref<2560x128xi32, #tpu.memory_space<hbm>> -> memref<1x128xi32, #tpu.memory_space<hbm>>
        %dma_start3A_68 = tpu.memref_squeeze %dma_start3A_67 : memref<1x128xi32, #tpu.memory_space<hbm>> -> memref<128xi32, #tpu.memory_space<hbm>>
        tpu.enqueue_dma source(%dma_start3A_68 : memref<128xi32, #tpu.memory_space<hbm>>) target(%arg10 : memref<128xi32, #tpu.memory_space<vmem>>) target_semaphore(%run_scoped3A : memref<!tpu.dma_semaphore, #tpu.memory_space<semaphore_mem>>)
        %dma_wait3A_69 = arith.constant 0 : i32
        %dma_wait3A_70 = tpu.memref_slice %arg4[%add3A_58, %dma_wait3A_69] : memref<2560x128xi32, #tpu.memory_space<hbm>> -> memref<1x128xi32, #tpu.memory_space<hbm>>
        %dma_wait3A_71 = tpu.memref_squeeze %dma_wait3A_70 : memref<1x128xi32, #tpu.memory_space<hbm>> -> memref<128xi32, #tpu.memory_space<hbm>>
        %dma_wait3A_72 = arith.constant 0 : i32
        %dma_wait3A_73 = tpu.memref_slice %arg4[%add3A_58, %dma_wait3A_72] : memref<2560x128xi32, #tpu.memory_space<hbm>> -> memref<1x128xi32, #tpu.memory_space<hbm>>
        %dma_wait3A_74 = tpu.memref_squeeze %dma_wait3A_73 : memref<1x128xi32, #tpu.memory_space<hbm>> -> memref<128xi32, #tpu.memory_space<hbm>>
        tpu.wait_dma2 semaphore(%run_scoped3A : memref<!tpu.dma_semaphore, #tpu.memory_space<semaphore_mem>>) src(%dma_wait3A_74 : memref<128xi32, #tpu.memory_space<hbm>>) dst(%arg10 : memref<128xi32, #tpu.memory_space<vmem>>)
        tpu.yield
      }) : () -> ()
      %dma_start3A = arith.constant 0 : i32
      %dma_start3A_59 = arith.constant 0 : i32
      %dma_start3A_60 = tpu.memref_slice %arg2[%dma_start3A, %dma_start3A_59] : memref<10000x128xf32, #tpu.memory_space<hbm>> -> memref<10000x128xf32, #tpu.memory_space<hbm>>
      tpu.enqueue_indirect_dma source(%dma_start3A_60 : memref<10000x128xf32, #tpu.memory_space<hbm>>) target(%arg11 : memref<128x128xf32, #tpu.memory_space<vmem>>) offsets(%arg9 : memref<128xi32, #tpu.memory_space<vmem>>) semaphore(%arg13 : memref<!tpu.dma_semaphore, #tpu.memory_space<semaphore_mem>>)
      %dma_wait3A = arith.constant 0 : i32
      %dma_wait3A_61 = arith.constant 0 : i32
      %dma_wait3A_62 = tpu.memref_slice %arg2[%dma_wait3A, %dma_wait3A_61] : memref<10000x128xf32, #tpu.memory_space<hbm>> -> memref<10000x128xf32, #tpu.memory_space<hbm>>
      tpu.wait_indirect_dma semaphore(%arg13 : memref<!tpu.dma_semaphore, #tpu.memory_space<semaphore_mem>>) src(%dma_wait3A_62 : memref<10000x128xf32, #tpu.memory_space<hbm>>) dst(%arg11 : memref<128x128xf32, #tpu.memory_space<vmem>>)
      "tpu.region"() ({
        %run_scoped3A = tpu.sem_alloc : memref<!tpu.dma_semaphore, #tpu.memory_space<semaphore_mem>>
        %dma_start3A_63 = arith.constant 0 : i32
        %dma_start3A_64 = arith.constant 0 : i32
        %dma_start3A_65 = tpu.memref_slice %arg12[%dma_start3A_63, %dma_start3A_64] : memref<10240x128xf32, #tpu.memory_space<vmem_shared>> -> memref<10240x128xf32, #tpu.memory_space<vmem_shared>>
        tpu.enqueue_indirect_dma source(%arg11 : memref<128x128xf32, #tpu.memory_space<vmem>>) target(%dma_start3A_65 : memref<10240x128xf32, #tpu.memory_space<vmem_shared>>) offsets(%arg10 : memref<128xi32, #tpu.memory_space<vmem>>) semaphore(%run_scoped3A : memref<!tpu.dma_semaphore, #tpu.memory_space<semaphore_mem>>) {add = true}
        %dma_wait3A_66 = arith.constant 0 : i32
        %dma_wait3A_67 = arith.constant 0 : i32
        %dma_wait3A_68 = tpu.memref_slice %arg12[%dma_wait3A_66, %dma_wait3A_67] : memref<10240x128xf32, #tpu.memory_space<vmem_shared>> -> memref<10240x128xf32, #tpu.memory_space<vmem_shared>>
        tpu.wait_indirect_dma semaphore(%run_scoped3A : memref<!tpu.dma_semaphore, #tpu.memory_space<semaphore_mem>>) src(%arg11 : memref<128x128xf32, #tpu.memory_space<vmem>>) dst(%dma_wait3A_68 : memref<10240x128xf32, #tpu.memory_space<vmem_shared>>)
        tpu.yield
      }) : () -> ()
      "tpu.region"() ({
        %run_scoped3A = tpu.sem_alloc : memref<!tpu.dma_semaphore, #tpu.memory_space<semaphore_mem>>
        %dma_start3A_63 = arith.constant 0 : i32
        %dma_start3A_64 = tpu.memref_slice %arg15[%dma_start3A_63] : memref<10240xf32, #tpu.memory_space<vmem_shared>> -> memref<10240xf32, #tpu.memory_space<vmem_shared>>
        tpu.enqueue_indirect_dma source(%arg14 : memref<128xf32, #tpu.memory_space<vmem>>) target(%dma_start3A_64 : memref<10240xf32, #tpu.memory_space<vmem_shared>>) offsets(%arg10 : memref<128xi32, #tpu.memory_space<vmem>>) semaphore(%run_scoped3A : memref<!tpu.dma_semaphore, #tpu.memory_space<semaphore_mem>>) {add = true}
        %dma_wait3A_65 = arith.constant 0 : i32
        %dma_wait3A_66 = tpu.memref_slice %arg15[%dma_wait3A_65] : memref<10240xf32, #tpu.memory_space<vmem_shared>> -> memref<10240xf32, #tpu.memory_space<vmem_shared>>
        tpu.wait_indirect_dma semaphore(%run_scoped3A : memref<!tpu.dma_semaphore, #tpu.memory_space<semaphore_mem>>) src(%arg14 : memref<128xf32, #tpu.memory_space<vmem>>) dst(%dma_wait3A_66 : memref<10240xf32, #tpu.memory_space<vmem_shared>>)
        tpu.yield
      }) : () -> ()
    }
    %scan3A_53 = arith.constant 80 : i32
    %barrier3A_54 = arith.constant 0 : index
    tpu.barrier barrier_id(%barrier3A_54)
    "tpu.region"() ({
      %run_scoped3A = tpu.sem_alloc : memref<!tpu.dma_semaphore, #tpu.memory_space<semaphore_mem>>
      %dma_start3A = arith.constant 0 : i32
      %dma_start3A_55 = tpu.memref_slice %arg7[%arg0, %mul3A_2, %dma_start3A] : memref<2x10240x128xf32, #tpu.memory_space<hbm>> -> memref<1x640x128xf32, #tpu.memory_space<hbm>>
      %dma_start3A_56 = tpu.memref_squeeze %dma_start3A_55 : memref<1x640x128xf32, #tpu.memory_space<hbm>> -> memref<640x128xf32, #tpu.memory_space<hbm>>
      %dma_start3A_57 = arith.constant 0 : i32
      %dma_start3A_58 = tpu.memref_slice %arg12[%mul3A_2, %dma_start3A_57] : memref<10240x128xf32, #tpu.memory_space<vmem_shared>> -> memref<640x128xf32, #tpu.memory_space<vmem_shared>>
      tpu.enqueue_dma source(%dma_start3A_58 : memref<640x128xf32, #tpu.memory_space<vmem_shared>>) target(%dma_start3A_56 : memref<640x128xf32, #tpu.memory_space<hbm>>) target_semaphore(%run_scoped3A : memref<!tpu.dma_semaphore, #tpu.memory_space<semaphore_mem>>)
      %dma_wait3A = arith.constant 0 : i32
      %dma_wait3A_59 = tpu.memref_slice %arg7[%arg0, %mul3A_2, %dma_wait3A] : memref<2x10240x128xf32, #tpu.memory_space<hbm>> -> memref<1x640x128xf32, #tpu.memory_space<hbm>>
      %dma_wait3A_60 = tpu.memref_squeeze %dma_wait3A_59 : memref<1x640x128xf32, #tpu.memory_space<hbm>> -> memref<640x128xf32, #tpu.memory_space<hbm>>
      %dma_wait3A_61 = arith.constant 0 : i32
      %dma_wait3A_62 = tpu.memref_slice %arg12[%mul3A_2, %dma_wait3A_61] : memref<10240x128xf32, #tpu.memory_space<vmem_shared>> -> memref<640x128xf32, #tpu.memory_space<vmem_shared>>
      tpu.wait_dma2 semaphore(%run_scoped3A : memref<!tpu.dma_semaphore, #tpu.memory_space<semaphore_mem>>) src(%dma_wait3A_62 : memref<640x128xf32, #tpu.memory_space<vmem_shared>>) dst(%dma_wait3A_60 : memref<640x128xf32, #tpu.memory_space<hbm>>)
      tpu.yield
    }) : () -> ()
    "tpu.region"() ({
      %run_scoped3A = tpu.sem_alloc : memref<!tpu.dma_semaphore, #tpu.memory_space<semaphore_mem>>
      %dma_start3A = tpu.memref_slice %arg8[%arg0, %mul3A_2] : memref<2x10240xf32, #tpu.memory_space<hbm>> -> memref<1x640xf32, #tpu.memory_space<hbm>>
      %dma_start3A_55 = tpu.memref_squeeze %dma_start3A : memref<1x640xf32, #tpu.memory_space<hbm>> -> memref<640xf32, #tpu.memory_space<hbm>>
      %dma_start3A_56 = tpu.memref_slice %arg15[%mul3A_2] : memref<10240xf32, #tpu.memory_space<vmem_shared>> -> memref<640xf32, #tpu.memory_space<vmem_shared>>
      tpu.enqueue_dma source(%dma_start3A_56 : memref<640xf32, #tpu.memory_space<vmem_shared>>) target(%dma_start3A_55 : memref<640xf32, #tpu.memory_space<hbm>>) target_semaphore(%run_scoped3A : memref<!tpu.dma_semaphore, #tpu.memory_space<semaphore_mem>>)
      %dma_wait3A = tpu.memref_slice %arg8[%arg0, %mul3A_2] : memref<2x10240xf32, #tpu.memory_space<hbm>> -> memref<1x640xf32, #tpu.memory_space<hbm>>
      %dma_wait3A_57 = tpu.memref_squeeze %dma_wait3A : memref<1x640xf32, #tpu.memory_space<hbm>> -> memref<640xf32, #tpu.memory_space<hbm>>
      %dma_wait3A_58 = tpu.memref_slice %arg15[%mul3A_2] : memref<10240xf32, #tpu.memory_space<vmem_shared>> -> memref<640xf32, #tpu.memory_space<vmem_shared>>
      tpu.wait_dma2 semaphore(%run_scoped3A : memref<!tpu.dma_semaphore, #tpu.memory_space<semaphore_mem>>) src(%dma_wait3A_58 : memref<640xf32, #tpu.memory_space<vmem_shared>>) dst(%dma_wait3A_57 : memref<640xf32, #tpu.memory_space<hbm>>)
      tpu.yield
    }) : () -> ()
    return
  }
}

module attributes {stable_mosaic.version = 14 : i64} {
  func.func @_mid_body(%arg0: memref<10000x128xf32, #tpu.memory_space<vmem>>, %arg1: memref<10000x128xf32, #tpu.memory_space<vmem>>, %arg2: memref<10000x1xf32, #tpu.memory_space<vmem>>, %arg3: memref<10000x1xf32, #tpu.memory_space<vmem>>, %arg4: memref<10000x128xf32, #tpu.memory_space<vmem>>, %arg5: memref<128x128xf32, #tpu.memory_space<vmem>>, %arg6: memref<1x128xf32, #tpu.memory_space<vmem>>, %arg7: memref<128x128xf32, #tpu.memory_space<vmem>>, %arg8: memref<128x64xf32, #tpu.memory_space<vmem>>, %arg9: memref<128x64xf32, #tpu.memory_space<vmem>>, %arg10: memref<10000x64xf32, #tpu.memory_space<vmem>>, %arg11: memref<10000x64xf32, #tpu.memory_space<vmem>>, %arg12: memref<10000x1xf32, #tpu.memory_space<vmem>>) attributes {dimension_semantics = [], scalar_prefetch = 0 : i64, scratch_operands = 0 : i64, tpu.core_type = #tpu.core_type<tc>} {
    %get3A = arith.constant 0 : index
    %get3A_0 = arith.constant 0 : index
    %get3A_1 = vector.load %arg2[%get3A, %get3A_0] : memref<10000x1xf32, #tpu.memory_space<vmem>>, vector<10000x1xf32>
    %get3A_2 = arith.constant 0 : index
    %get3A_3 = arith.constant 0 : index
    %get3A_4 = vector.load %arg3[%get3A_2, %get3A_3] : memref<10000x1xf32, #tpu.memory_space<vmem>>, vector<10000x1xf32>
    %add3A = arith.addf %get3A_1, %get3A_4 : vector<10000x1xf32>
    %max3A = arith.constant 1.000000e+00 : f32
    %max3A_5 = vector.broadcast %max3A : f32 to vector<10000x1xf32>
    %max3A_6 = arith.maximumf %add3A, %max3A_5 : vector<10000x1xf32>
    %div3A = arith.constant 1.000000e+00 : f32
    %div3A_7 = vector.broadcast %div3A : f32 to vector<10000x1xf32>
    %div3A_8 = arith.divf %div3A_7, %max3A_6 : vector<10000x1xf32>
    %get3A_9 = arith.constant 0 : index
    %get3A_10 = arith.constant 0 : index
    %get3A_11 = vector.load %arg0[%get3A_9, %get3A_10] : memref<10000x128xf32, #tpu.memory_space<vmem>>, vector<10000x128xf32>
    %get3A_12 = arith.constant 0 : index
    %get3A_13 = arith.constant 0 : index
    %get3A_14 = vector.load %arg1[%get3A_12, %get3A_13] : memref<10000x128xf32, #tpu.memory_space<vmem>>, vector<10000x128xf32>
    %add3A_15 = arith.addf %get3A_11, %get3A_14 : vector<10000x128xf32>
    %mul3A = vector.broadcast %div3A_8 : vector<10000x1xf32> to vector<10000x128xf32>
    %mul3A_16 = arith.mulf %add3A_15, %mul3A : vector<10000x128xf32>
    %get3A_17 = arith.constant 0 : index
    %get3A_18 = arith.constant 0 : index
    %get3A_19 = vector.load %arg5[%get3A_17, %get3A_18] : memref<128x128xf32, #tpu.memory_space<vmem>>, vector<128x128xf32>
    %dot_general3A = arith.constant dense<0.000000e+00> : vector<10000x128xf32>
    %dot_general3A_20 = tpu.matmul %mul3A_16, %get3A_19, %dot_general3A {dimension_numbers = #tpu.dot_dimension_numbers<[1], [0], [0], [1], [0, 0, 1, 1], [], []>, transpose_lhs_hint = false} : vector<10000x128xf32>, vector<128x128xf32>, vector<10000x128xf32> -> vector<10000x128xf32>
    %get3A_21 = arith.constant 0 : index
    %get3A_22 = arith.constant 0 : index
    %get3A_23 = vector.load %arg6[%get3A_21, %get3A_22] : memref<1x128xf32, #tpu.memory_space<vmem>>, vector<1x128xf32>
    %add3A_24 = vector.broadcast %get3A_23 : vector<1x128xf32> to vector<10000x128xf32>
    %add3A_25 = arith.addf %dot_general3A_20, %add3A_24 : vector<10000x128xf32>
    %get3A_26 = arith.constant 0 : index
    %get3A_27 = arith.constant 0 : index
    %get3A_28 = vector.load %arg4[%get3A_26, %get3A_27] : memref<10000x128xf32, #tpu.memory_space<vmem>>, vector<10000x128xf32>
    %get3A_29 = arith.constant 0 : index
    %get3A_30 = arith.constant 0 : index
    %get3A_31 = vector.load %arg7[%get3A_29, %get3A_30] : memref<128x128xf32, #tpu.memory_space<vmem>>, vector<128x128xf32>
    %dot_general3A_32 = arith.constant dense<0.000000e+00> : vector<10000x128xf32>
    %dot_general3A_33 = tpu.matmul %get3A_28, %get3A_31, %dot_general3A_32 {dimension_numbers = #tpu.dot_dimension_numbers<[1], [0], [0], [1], [0, 0, 1, 1], [], []>, transpose_lhs_hint = false} : vector<10000x128xf32>, vector<128x128xf32>, vector<10000x128xf32> -> vector<10000x128xf32>
    %add3A_34 = arith.addf %add3A_25, %dot_general3A_33 : vector<10000x128xf32>
    %max3A_35 = arith.constant 0.000000e+00 : f32
    %max3A_36 = vector.broadcast %max3A_35 : f32 to vector<10000x128xf32>
    %max3A_37 = arith.maximumf %add3A_34, %max3A_36 : vector<10000x128xf32>
    %get3A_38 = arith.constant 0 : index
    %get3A_39 = arith.constant 0 : index
    %get3A_40 = vector.load %arg8[%get3A_38, %get3A_39] : memref<128x64xf32, #tpu.memory_space<vmem>>, vector<128x64xf32>
    %dot_general3A_41 = arith.constant dense<0.000000e+00> : vector<10000x64xf32>
    %dot_general3A_42 = tpu.matmul %max3A_37, %get3A_40, %dot_general3A_41 {dimension_numbers = #tpu.dot_dimension_numbers<[1], [0], [0], [1], [0, 0, 1, 1], [], []>, transpose_lhs_hint = false} : vector<10000x128xf32>, vector<128x64xf32>, vector<10000x64xf32> -> vector<10000x64xf32>
    %swap3A = arith.constant 0 : index
    %swap3A_43 = arith.constant 0 : index
    %swap3A_44 = vector.load %arg10[%swap3A, %swap3A_43] : memref<10000x64xf32, #tpu.memory_space<vmem>>, vector<10000x64xf32>
    tpu.vector_store %arg10[%swap3A, %swap3A_43], %dot_general3A_42 {strides = array<i32>} : memref<10000x64xf32, #tpu.memory_space<vmem>>, vector<10000x64xf32>,
    %get3A_45 = arith.constant 0 : index
    %get3A_46 = arith.constant 0 : index
    %get3A_47 = vector.load %arg9[%get3A_45, %get3A_46] : memref<128x64xf32, #tpu.memory_space<vmem>>, vector<128x64xf32>
    %dot_general3A_48 = arith.constant dense<0.000000e+00> : vector<10000x64xf32>
    %dot_general3A_49 = tpu.matmul %max3A_37, %get3A_47, %dot_general3A_48 {dimension_numbers = #tpu.dot_dimension_numbers<[1], [0], [0], [1], [0, 0, 1, 1], [], []>, transpose_lhs_hint = false} : vector<10000x128xf32>, vector<128x64xf32>, vector<10000x64xf32> -> vector<10000x64xf32>
    %swap3A_50 = arith.constant 0 : index
    %swap3A_51 = arith.constant 0 : index
    %swap3A_52 = vector.load %arg11[%swap3A_50, %swap3A_51] : memref<10000x64xf32, #tpu.memory_space<vmem>>, vector<10000x64xf32>
    tpu.vector_store %arg11[%swap3A_50, %swap3A_51], %dot_general3A_49 {strides = array<i32>} : memref<10000x64xf32, #tpu.memory_space<vmem>>, vector<10000x64xf32>,
    %swap3A_53 = arith.constant 0 : index
    %swap3A_54 = arith.constant 0 : index
    %swap3A_55 = vector.load %arg12[%swap3A_53, %swap3A_54] : memref<10000x1xf32, #tpu.memory_space<vmem>>, vector<10000x1xf32>
    tpu.vector_store %arg12[%swap3A_53, %swap3A_54], %div3A_8 {strides = array<i32>} : memref<10000x1xf32, #tpu.memory_space<vmem>>, vector<10000x1xf32>,
    return
  }
}

module attributes {stable_mosaic.version = 14 : i64} {
  func.func @_out_body(%arg0: memref<10000x64xf32, #tpu.memory_space<vmem>>, %arg1: memref<10000x64xf32, #tpu.memory_space<vmem>>, %arg2: memref<10000x1xf32, #tpu.memory_space<vmem>>, %arg3: memref<10000x64xf32, #tpu.memory_space<vmem>>, %arg4: memref<1x64xf32, #tpu.memory_space<vmem>>, %arg5: memref<10000x64xf32, #tpu.memory_space<vmem>>) attributes {dimension_semantics = [], scalar_prefetch = 0 : i64, scratch_operands = 0 : i64, tpu.core_type = #tpu.core_type<tc>} {
    %get3A = arith.constant 0 : index
    %get3A_0 = arith.constant 0 : index
    %get3A_1 = vector.load %arg0[%get3A, %get3A_0] : memref<10000x64xf32, #tpu.memory_space<vmem>>, vector<10000x64xf32>
    %get3A_2 = arith.constant 0 : index
    %get3A_3 = arith.constant 0 : index
    %get3A_4 = vector.load %arg1[%get3A_2, %get3A_3] : memref<10000x64xf32, #tpu.memory_space<vmem>>, vector<10000x64xf32>
    %add3A = arith.addf %get3A_1, %get3A_4 : vector<10000x64xf32>
    %get3A_5 = arith.constant 0 : index
    %get3A_6 = arith.constant 0 : index
    %get3A_7 = vector.load %arg2[%get3A_5, %get3A_6] : memref<10000x1xf32, #tpu.memory_space<vmem>>, vector<10000x1xf32>
    %mul3A = vector.broadcast %get3A_7 : vector<10000x1xf32> to vector<10000x64xf32>
    %mul3A_8 = arith.mulf %add3A, %mul3A : vector<10000x64xf32>
    %get3A_9 = arith.constant 0 : index
    %get3A_10 = arith.constant 0 : index
    %get3A_11 = vector.load %arg4[%get3A_9, %get3A_10] : memref<1x64xf32, #tpu.memory_space<vmem>>, vector<1x64xf32>
    %add3A_12 = vector.broadcast %get3A_11 : vector<1x64xf32> to vector<10000x64xf32>
    %add3A_13 = arith.addf %mul3A_8, %add3A_12 : vector<10000x64xf32>
    %get3A_14 = arith.constant 0 : index
    %get3A_15 = arith.constant 0 : index
    %get3A_16 = vector.load %arg3[%get3A_14, %get3A_15] : memref<10000x64xf32, #tpu.memory_space<vmem>>, vector<10000x64xf32>
    %add3A_17 = arith.addf %add3A_13, %get3A_16 : vector<10000x64xf32>
    %reduce_max3A = arith.constant dense<0xFF800000> : vector<10000xf32>
    %reduce_max3A_18 = vector.multi_reduction <maximumf>, %add3A_17, %reduce_max3A [1] : vector<10000x64xf32> to vector<10000xf32>
    %broadcast_in_dim3A = vector.shape_cast %reduce_max3A_18 : vector<10000xf32> to vector<10000x1xf32>
    %sub3A = vector.broadcast %broadcast_in_dim3A : vector<10000x1xf32> to vector<10000x64xf32>
    %sub3A_19 = arith.subf %add3A_17, %sub3A : vector<10000x64xf32>
    %exp3A = math.exp %sub3A_19 : vector<10000x64xf32>
    %reduce_sum3A = arith.constant dense<0.000000e+00> : vector<10000xf32>
    %reduce_sum3A_20 = vector.multi_reduction <add>, %exp3A, %reduce_sum3A [1] : vector<10000x64xf32> to vector<10000xf32>
    %broadcast_in_dim3A_21 = vector.shape_cast %reduce_sum3A_20 : vector<10000xf32> to vector<10000x1xf32>
    %log3A = math.log %broadcast_in_dim3A_21 : vector<10000x1xf32>
    %add3A_22 = arith.addf %log3A, %broadcast_in_dim3A : vector<10000x1xf32>
    %sub3A_23 = vector.broadcast %add3A_22 : vector<10000x1xf32> to vector<10000x64xf32>
    %sub3A_24 = arith.subf %add3A_17, %sub3A_23 : vector<10000x64xf32>
    %swap3A = arith.constant 0 : index
    %swap3A_25 = arith.constant 0 : index
    %swap3A_26 = vector.load %arg5[%swap3A, %swap3A_25] : memref<10000x64xf32, #tpu.memory_space<vmem>>, vector<10000x64xf32>
    tpu.vector_store %arg5[%swap3A, %swap3A_25], %sub3A_24 {strides = array<i32>} : memref<10000x64xf32, #tpu.memory_space<vmem>>, vector<10000x64xf32>,
    return
  }
}

</mosaic_0001>

<sc_bundles>
// kernel: kernel.6.cloned.1.call-start
scs
__scs_entry_jumppad:
0x0: {  	(pc) =	sbr.rel $0x88, $3  }
0x1: {  	(tag) =	ssettag $0x0;
	lr =	simm.s32 $0x1  }
0x2: {  	[smem:$0x3F99] =	sst lr;
	_ =	strace $0xD0000000  }
0x3: {  	_ = 	snop  }
0x4: {  	_ = 	snop  }
0x5: {  	_ = 	snop  }
0x6: {  	_ = 	snop  }
0x7: {  	_ = 	snop  }
__scs_overlays_trampoline_lowered:
0x8: {  	[smem:$0x3FA8] =	sst s0  }
0x9: {  	[smem:$0x3FA9] =	sst s1  }
0xa: {  	[smem:$0x3FAA] =	sst s2  }
0xb: {  	[smem:$0x3FAB] =	sst s3  }
0xc: {  	[smem:$0x3FAC] =	sst s4  }
0xd: {  	[smem:$0x3FAD] =	sst s5  }
0xe: {  	[smem:$0x3FAE] =	sst s6  }
0xf: {  	[smem:$0x3FAF] =	sst s7  }
0x10: {  	[smem:$0x3FB0] =	sst s8  }
0x11: {  	[smem:$0x3FB1] =	sst s9;
	s0 =	simm.s32 @!p0 $0x0  }
0x12: {  	s1 =	sld [smem:$0x3F97];
	s0 =	simm.s32 @p0 $0x1  }
0x13: {  	[smem:$0x3FB2] =	sst s0;
	s0 =	simm.s32 @!p1 $0x0  }
0x14: {  	s2 =	sld [smem:$0x3F96];
	s0 =	simm.s32 @p1 $0x1  }
0x15: {  	[smem:$0x3FB3] =	sst s0;
	s0 =	simm.s32 @!p2 $0x0  }
0x16: {  	s3 =	sld [smem:$0x3FDB];
	s0 =	simm.s32 @p2 $0x1  }
0x17: {  	s4 =	simm.s32 $0x1BF5;
	[smem:$0x3FB5] =	sst s0  }
0x18: {  	s0 =	sld [smem:$0x3F98];
	_ =	swait.ge [sflag:s4], $0x0  }
0x19: {  	s7 =	sld [smem:$0x3F99]  }
0x1a: {  	s8 =	sadd.s32 $0xFFFFE003, lr  }
0x1b: {  	s9 =	sadd.s32 $0xFFFFFEF7, lr;
	s5 =	simm.s32 $0xFFFFFFFF;
	p2 =	slt.u32 s8, $0xFFFFF086  }
0x1c: {  	p1 =	slt.u32 s9, $0xF7A;
	s5 =	simm.s32 @!p2 $0x0  }
0x1d: {  	s5 =	simm.s32 @p1 $0x1;
	p0 =	seq.s32 s7, s2  }
0x1e: {  	s7 =	smul.u32 @!p0 $0xF7A, s2;
	p2 =	seq.s32 @!p0 s5, $0x0  }
0x1f: {  	s9 =	smul.u32 $0xF7A, s1;
	s8 =	simm.s32 @!p0 $0x1BF5;
	p2 =	por !p2, p0  }
0x20: {  	[sflag:s8] =	ssyncset.s32 @!p0 $0xFFFFF086;
	s6 =	sadd.s32 @!p0 s3, s7;
	s7 =	simm.s32 @!p0 $0x108  }
0x21: {  	s3 =	sadd.s32 s3, s9;
	s6 =	sadd.s32 @!p0 $0x88, s6;
	s7 =	simm.s32 @p2 $0x1082  }
0x22: {  	[simem:s7], [sflag:s8] =	dma.local @!p0 [hbm:s6], $0xF7A  }
0x23: {  	s9 =	sor.u32 $0xD0000000, s2;
	s6 =	simm.s32 $0x108;
	_ =	swait.ge @!p0 [sflag:s8], $0x0  }
0x24: {  	s3 =	sadd.s32 $0x88, s3;
	s6 =	simm.s32 @!p1 $0x1082;
	[sflag:s4] =	ssyncset.s32 $0xFFFFF086  }
0x25: {  	[simem:s6], [sflag:s4] =	dma.local [hbm:s3], $0xF7A  }
0x26: {  	[smem:$0x3F99] =	sst s1;
	(tag) =	ssettag s2;
	_ =	strace s9  }
0x27: {  	s1 =	sld [smem:$0x3FA9]  }
0x28: {  	s2 =	sld [smem:$0x3FAA]  }
0x29: {  	s4 =	sld [smem:$0x3FAC]  }
0x2a: {  	p0 =	seq.s32 s5, $0x0;
	s5 =	sld [smem:$0x3FAD]  }
0x2b: {  	s6 =	sld [smem:$0x3FAE]  }
0x2c: {  	s7 =	sld [smem:$0x3FAF]  }
0x2d: {  	s3 =	simm.s32 $0x108;
	s8 =	sld [smem:$0x3FB0]  }
0x2e: {  	s3 =	simm.s32 @!p0 $0x1082;
	s9 =	sld [smem:$0x3FB1]  }
0x2f: {  	lr =	sadd.s32 s0, s3;
	s0 =	sld [smem:$0x3FA8]  }
0x30: {  	s3 =	sld [smem:$0x3FAB]  }
0x31: {  	[smem:$0x3FB4] =	sst s10  }
0x32: {  	s10 =	sld [smem:$0x3FB2];
	_ =	sdelay $0x3  }
0x33: {  	p0 =	seq.s32 s10, $0x1;
	s10 =	sld [smem:$0x3FB4];
	_ =	sdelay $0x3  }
0x34: {  	[smem:$0x3FB4] =	sst s10  }
0x35: {  	s10 =	sld [smem:$0x3FB3];
	_ =	sdelay $0x3  }
0x36: {  	p1 =	seq.s32 s10, $0x1;
	s10 =	sld [smem:$0x3FB4];
	_ =	sdelay $0x3  }
0x37: {  	[smem:$0x3FB4] =	sst s10  }
0x38: {  	s10 =	sld [smem:$0x3FB5]  }
0x39: {  	_ = 	snop;
	(pc) =	sbr.ind lr, $3  }
0x3a: {  	_ = 	snop  }
0x3b: {  	_ = 	snop  }
0x3c: {  	p2 =	seq.s32 s10, $0x1;
	s10 =	sld [smem:$0x3FB4]  }
0x3d: {  	_ =	shalt  }
0x3e: {  	_ =	shalt  }
0x3f: {  	_ =	shalt  }
0x40: {  	_ =	shalt  }
0x41: {  	_ =	shalt  }
0x42: {  	_ =	shalt  }
0x43: {  	_ =	shalt  }
0x44: {  	_ =	shalt  }
0x45: {  	_ =	shalt  }
0x46: {  	_ =	shalt  }
0x47: {  	_ =	shalt  }
0x48: {  	_ =	shalt  }
0x49: {  	_ =	shalt  }
0x4a: {  	_ =	shalt  }
0x4b: {  	_ =	shalt  }
0x4c: {  	_ =	shalt  }
0x4d: {  	_ =	shalt  }
0x4e: {  	_ =	shalt  }
0x4f: {  	_ =	shalt  }
0x50: {  	_ =	shalt  }
0x51: {  	_ =	shalt  }
0x52: {  	_ =	shalt  }
0x53: {  	_ =	shalt  }
0x54: {  	_ =	shalt  }
0x55: {  	_ =	shalt  }
0x56: {  	_ =	shalt  }
0x57: {  	_ =	shalt  }
0x58: {  	_ =	shalt  }
0x59: {  	_ =	shalt  }
0x5a: {  	_ =	shalt  }
0x5b: {  	_ =	shalt  }
0x5c: {  	_ =	shalt  }
0x5d: {  	_ =	shalt  }
0x5e: {  	_ =	shalt  }
0x5f: {  	_ =	shalt  }
0x60: {  	_ =	shalt  }
0x61: {  	_ =	shalt  }
0x62: {  	_ =	shalt  }
0x63: {  	_ =	shalt  }
0x64: {  	_ =	shalt  }
0x65: {  	_ =	shalt  }
0x66: {  	_ =	shalt  }
0x67: {  	_ =	shalt  }
0x68: {  	_ =	shalt  }
0x69: {  	_ =	shalt  }
0x6a: {  	_ =	shalt  }
0x6b: {  	_ =	shalt  }
0x6c: {  	_ =	shalt  }
0x6d: {  	_ =	shalt  }
0x6e: {  	_ =	shalt  }
0x6f: {  	_ =	shalt  }
0x70: {  	_ =	shalt  }
0x71: {  	_ =	shalt  }
0x72: {  	_ =	shalt  }
0x73: {  	_ =	shalt  }
0x74: {  	_ =	shalt  }
0x75: {  	_ =	shalt  }
0x76: {  	_ =	shalt  }
0x77: {  	_ =	shalt  }
0x78: {  	_ =	shalt  }
0x79: {  	_ =	shalt  }
0x7a: {  	_ =	shalt  }
0x7b: {  	_ =	shalt  }
0x7c: {  	_ =	shalt  }
0x7d: {  	_ =	shalt  }
0x7e: {  	_ =	shalt  }
0x7f: {  	_ =	shalt  }
0x80: {  	_ =	shalt  }
0x81: {  	_ =	shalt  }
0x82: {  	_ =	shalt  }
0x83: {  	_ =	shalt  }
0x84: {  	_ =	shalt  }
0x85: {  	_ =	shalt  }
0x86: {  	_ =	shalt  }
0x87: {  	_ =	shalt  }
.Lfunc_end0:
.L_simem_size_0:
called_computation_lowered:
.L_overlay_start_0:
0x88: {  	s2 =	sld [smem:$0x3FD9]  }
0x89: {  	s3 =	sld [smem:$0x3FFE];
	_ =	sdelay $0x1  }
0x8a: {  	s1 =	srdreg.scid  }
0x8b: {  	s0 =	sand.u32 $0x1, s1  }
0x8c: {  	s17 =	sshll.u32 s0, $0xA;
	s2 =	sadd.s32 s3, s2  }
0x8d: {  	s2 =	sadd.s32 s2, s17  }
0x8e: {  	[smem:$0x3FC0] =	sst s2  }
0x8f: {  	_ = 	snop  }
0x90: {  	s2 =	sld [smem:$0x3FC9]  }
0x91: {  	s18 =	sld [smem:$0x3FD0];
	(tm) =	ssettm $0x1  }
0x92: {  	s4 =	sld [smem:$0x3FFB];
	_ =	sdelay $0x3  }
0x93: {  	_ =	strace s4  }
0x94: {  	s4 =	sld [smem:$0x3FFC];
	_ =	sdelay $0x3  }
0x95: {  	_ =	strace s4  }
0x96: {  	s4 =	sld [smem:$0x3FFD];
	_ =	sdelay $0x3  }
0x97: {  	_ =	strace s4  }
0x98: {  	_ =	strace $0x8FFFFFFF  }
0x99: {  	s19 =	sld [smem:$0x3FDB];
	_ =	sdelay $0x1  }
0x9a: {  	s5 =	simm.s32 $_scs_section_size  }
0x9b: {  	s6 =	simm.s32 $_size__tile_overlayer_lowered;
	s7 =	simm.s32 $_tile_overlayer_lowered  }
0x9c: {  	s22 =	simm.s32 $0x1BFF;
	s21 =	sshll.u32 s7, $0x1;
	s4 =	sadd.s32 s5, s19  }
0x9d: {  	s8 =	simm.s32 $0x0;
	s20 =	sshll.u32 s6, $0x1;
	s6 =	sadd.s32 s21, s4  }
0x9e: {  	[timem:s8], [sflag:s22] =	dma.local [hbm:s6], s20  }
0x9f: {  	_ =	swait.ge [sflag:s22], s20  }
0xa0: {  	s5 =	ssub.s32 $0x0, s20;
	[sflag:s22] =	ssyncset.done $0x0  }
0xa1: {  	[sflag:s22] =	ssyncadd.s32 s5;
	_ =	sdelay $0x1  }
0xa2: {  	s23 =	simm.s32 $0x1B8B  }
0xa3: {  	_ =	swait.ge [sflag:s23], $0x1  }
0xa4: {  	[sflag:s23] =	ssyncset.done $0x0  }
0xa5: {  	s25 =	simm.s32 $0x1B8E;
	s24 =	sld [smem:$0x3FFE];
	[sflag:s23] =	ssyncadd.s32 $0xFFFFFFFF  }
0xa6: {  	s26 =	simm.s32 $execute0_lowered;
	[smem:$0x3FD2] =	sst s25  }
0xa7: {  	s6 =	sshll.u32 s26, $0x1;
	_ =	strace $0x80000046;
	[dreg:$0x1] =	wrdreg $0xFFFFFFFF  }
0xa8: {  	s28 =	simm.s32 $_size_execute0_lowered;
	s4 =	sadd.s32 s4, s6;
	[dreg:$0x0] =	wrdreg $0x0  }
0xa9: {  	s6 =	sshll.u32 s28, $0x1;
	[dreg:$0x2] =	wrdreg s4  }
0xaa: {  	[dreg:$0x3] =	wrdreg s6  }
0xab: {  	[dreg:$0x4] =	wrdreg $0xC0  }
0xac: {  	_ =	task [dreg:s8], $0x5FFFF  }
0xad: {  	[dreg:$0x1] =	wrdreg $0xFFFFFFFF  }
0xae: {  	[dreg:$0x0] =	wrdreg $0x60  }
0xaf: {  	[dreg:$0x2] =	wrdreg s2  }
0xb0: {  	[dreg:$0x3] =	wrdreg s24  }
0xb1: {  	[dreg:$0x4] =	wrdreg s18  }
0xb2: {  	[dreg:$0x5] =	wrdreg $0x41000  }
0xb3: {  	[dreg:$0x6] =	wrdreg $0x181800  }
0xb4: {  	[dreg:$0x7] =	wrdreg $0x9  }
0xb5: {  	_ =	task.clear_ibuf [dreg:s8], $0x8FFFF;
	_ =	strace $0x90000046  }
0xb6: {  	s29 =	simm.s32 $0x9;
	_ =	strace $0x80000048  }
0xb7: {  	_ =	swait.ge [sflag:s29], $0x1  }
0xb8: {  	[sflag:s29] =	ssyncadd.s32 $0xFFFFFFFF  }
0xb9: {  	_ =	strace $0x90000048  }
0xba: {  	_ =	sfence  }
0xbb: {  	s30 =	sld [smem:$0x0];
	_ =	sdelay $0x2  }
0xbc: {  	s31 =	sshll.u32 s1, $0xD;
	s1 =	sshrl.u32 s1, $0x2  }
0xbd: {  	s3 =	sand.u32 $0x4000, s31;
	s1 =	sadd.s32 s1, s30  }
0xbe: {  	s0 =	sor.u32 s3, s0;
	s1 =	sshll.u32 s1, $0x11  }
0xbf: {  	s0 =	sor.u32 s1, s0  }
0xc0: {  	s0 =	sadd.s32 $0x8F2B, s0  }
0xc1: {  	[sflag:s0] =	ssyncadd.remote.s32 $0x1  }
0xc2: {  	_ =	sfence.sel $0xFFFF  }
0xc3: {  	[dreg:$0x0] =	wrdreg $0xFFFFFFFF;
	(pc) =	sbr.abs _section_cstart, $3  }
0xc4: {  	[dreg:$0x1] =	wrdreg $0xFFFFFFFF  }
0xc5: {  	_ =	task.clear_ibuf [dreg:s8], $0x2FFFF;
	_ =	strace $0x9FFFFFFF  }
0xc6: {  	(tm) =	ssettm $0x7FFFFFFF  }
0xc7: {  	_ =	shalt  }
tec
execute0_lowered:
.L_overlay_start_1:
0x0: {  	(tag) =	ssettag $0x1  }
0x1: {  	s1 =	rddreg [dreg:$0x0]  }
0x2: {  	s8 =	rddreg [dreg:$0x1]  }
0x3: {  	s3 =	rddreg [dreg:$0x2]  }
0x4: {  	s4 =	rddreg [dreg:$0x3]  }
0x5: {  	s5 =	rddreg [dreg:$0x4]  }
0x6: {  	s0 =	rddreg [dreg:$0x5];
	s2 =	stileid.u32  }
0x7: {  	s7 =	srdreg.scid;
	s9 =	smul.u32 $0x14000, s2  }
0x8: {  	s6 =	simm.s32 $0x0;
	s21 =	simm.s32 $0x18100;
	s10 =	smul.u32 $0x280, s2  }
0x9: {  	s22 =	simm.s32 $0x20;
	s11 =	sand.u32 $0x1, s7;
	s15 =	smul.u32 $0x500, s2  }
0xa: {  	[smem:$0x7FF] =	sst s6;
	s7 =	sadd.s32 $0x1E00, s8;
	s17 =	smul.u32 $0x50000, s2  }
0xb: {  	s30 =	sshll.u32 s2, $0x6;
	s13 =	smul.u32 $0x140000, s11;
	_ =	strace $0x80000047  }
0xc: {  	s24 =	sshll.u32 s11, $0x7;
	s16 =	ssub.s32 $0x2, s11;
	s20 =	smul.u32 $0x5000, s11  }
0xd: {  	s12 =	sshrl.u32 s9, $0x3;
	s14 =	sshrl.u32 s10, $0x3;
	s26 =	sshrl.u32 s16, $0x1  }
0xe: {  	s28 =	sshrl.u32 s17, $0x2;
	s31 =	sadd.s32 s10, s5;
	s12 =	sadd.s32 s12, s8  }
0xf: {  	s9 =	sadd.s32 s9, s13;
	s23 =	sadd.s32 s14, s8;
	s14 =	sor.u32 s24, s15  }
0x10: {  	s29 =	sadd.s32 s28, s4;
	s17 =	sshrl.u32 s31, $0x3;
	s24 =	simm.s32 $0x0  }
0x11: {  	s9 =	sshrl.u32 s9, $0x3;
	s25 =	sshrl.u32 s14, $0x3;
	s14 =	ssub.s32 s16, s26  }
0x12: {  	s10 =	sadd.s32 $0x1FE00, s23;
	s16 =	simm.s32 $0x2;
	s23 =	simm.s32 $0x10  }
0x13: {  	s18 =	sadd.s32 s9, s8;
	s19 =	sadd.s32 s25, s8;
	s8 =	sadd.s32 $0x20400, s12  }
0x14: {  	s9 =	sor.u32 $0x1C02, s30;
	s13 =	smax.u32 s14, $0x1;
	s14 =	sadd.s32 s15, s20  }
0x15: {  	s15 =	sshrl.u32 s29, $0x3;
	s20 =	simm.s32 $0x1;
	s11 =	sadd.s32 $0x48400, s18  }
0x16: {  	v0 =	vimm.f32 $1.000000000e+00;
	s12 =	sadd.s32 $0x98400, s19;
	s18 =	simm.s32 $0x80;
	s19 =	simm.s32 $0x100  }
.LBB2_1:
0x17: {  	[spmem:s15], [sflag:s9] =	dma.local [hbm:s8], $0x2800  }
0x18: {  	_ =	swait.ge [sflag:s16], $0x2800  }
0x19: {  	[sflag:s16] =	ssyncset.done $0x0  }
0x1a: {  	[sflag:s16] =	ssyncadd.s32 $0xFFFFD800  }
0x1b: {  	[spmem:s17], [sflag:s9] =	dma.local [hbm:s10], $0x50  }
0x1c: {  	_ =	swait.ge [sflag:s16], $0x50  }
0x1d: {  	[sflag:s16] =	ssyncset.done $0x0  }
0x1e: {  	[sflag:s16] =	ssyncadd.s32 $0xFFFFFFB0  }
0x1f: {  	[tilespmem:$0x18100] =	vst v0  }
0x20: {  	[tilespmem:$0x18110] =	vst v0  }
0x21: {  	[tilespmem:$0x18120] =	vst v0  }
0x22: {  	[tilespmem:$0x18130] =	vst v0  }
0x23: {  	[tilespmem:$0x18140] =	vst v0  }
0x24: {  	s25 =	sadd.s32 $0x0, s14;
	[tilespmem:$0x18150] =	vst v0  }
0x25: {  	s26 =	sand.u32 $0x70, s6;
	s25 =	sand.u32 $0xFFFFF80, s25;
	[tilespmem:$0x18160] =	vst v0  }
0x26: {  	s25 =	sor.u32 s26, s25;
	[tilespmem:$0x18170] =	vst v0  }
0x27: {  	s26 =	sadd.s32 s7, s25;
	[bflag:$0x0] =	sbarrier.arrive $0xFFFF  }
0x28: {  	[tilespmem:s6], [sflag:$0x2] =	stream.linear.gather [hbm4b:s26+s6], $0x80, $0x38;
	[tilespmem:$0x18400] =	vst v63  }
0x29: {  	_ =	swait.ge [sflag:s16], $0x80  }
0x2a: {  	[sflag:s16] =	ssyncset.done $0x0  }
0x2b: {  	s25 =	sadd.s32 s3, s25;
	[sflag:s16] =	ssyncadd.s32 $0xFFFFFF80  }
0x2c: {  	[tilespmem:s18], [sflag:$0x2] =	stream.linear.gather [hbm4b:s25+s6], $0x80, $0x38;
	[tilespmem:$0x18400] =	vst v63  }
0x2d: {  	_ =	swait.ge [sflag:s16], $0x80  }
0x2e: {  	[sflag:s16] =	ssyncset.done $0x0  }
0x2f: {  	[sflag:s16] =	ssyncadd.s32 $0xFFFFFF80  }
0x30: {  	[tilespmem:s19], [sflag:$0x1] =	stream.indirect.gather [hbm4b:s1+s18], $0x80, s6, s18, $0xb8;
	[tilespmem:$0x18400] =	vst v63  }
0x31: {  	_ =	swait.ge [sflag:s20], $0x4000  }
0x32: {  	[sflag:s20] =	ssyncset.done $0x0  }
0x33: {  	[sflag:s20] =	ssyncadd.s32 $0xFFFFC000  }
0x34: {  	[spmem:s4] =	stream.indirect.scatter.add.f32 [tilespmem:s19], [sflag:$0x2], $0x80, s18, s18, $0xb8;
	[tilespmem:$0x18400] =	vst v63  }
0x35: {  	_ =	swait.ge [sflag:s16], $0x4000  }
0x36: {  	[sflag:s16] =	ssyncset.done $0x0  }
0x37: {  	s30 =	simm.s32 $0x10;
	s31 =	sadd.s32 $0x10, s14;
	[sflag:s16] =	ssyncadd.s32 $0xFFFFC000  }
0x38: {  	[spmem:s5] =	stream.indirect.scatter.add.f32 [tilespmem:s21], [sflag:$0x2], $0x1, s18, s18, $0xb8;
	[tilespmem:$0x18400] =	vst v63  }
0x39: {  	s28 =	sand.u32 $0xFFFFF80, s31;
	s25 =	sand.u32 $0x70, s30;
	_ =	swait.ge [sflag:s16], $0x80  }
0x3a: {  	s26 =	simm.s32 $0x20;
	s25 =	sor.u32 s25, s28;
	[sflag:s16] =	ssyncset.done $0x0  }
.LBB2_2:
0x3b: {  	s28 =	sadd.s32 s7, s25  }
0x3c: {  	[sflag:s16] =	ssyncadd.s32 $0xFFFFFF80;
	s29 =	smov.u32 s26;
	s30 =	sadd.s32 $0x10, s26  }
0x3d: {  	[tilespmem:s6], [sflag:$0x2] =	stream.linear.gather [hbm4b:s28+s6], $0x80, $0x38;
	[tilespmem:$0x18400] =	vst v63  }
0x3e: {  	p0 =	sne.s32 s26, $0x4F0;
	_ =	swait.ge [sflag:s16], $0x80  }
0x3f: {  	[sflag:s16] =	ssyncset.done $0x0  }
0x40: {  	s25 =	sadd.s32 s3, s25;
	[sflag:s16] =	ssyncadd.s32 $0xFFFFFF80  }
0x41: {  	[tilespmem:s18], [sflag:$0x2] =	stream.linear.gather [hbm4b:s25+s6], $0x80, $0x38;
	[tilespmem:$0x18400] =	vst v63  }
0x42: {  	_ =	swait.ge [sflag:s16], $0x80  }
0x43: {  	[sflag:s16] =	ssyncset.done $0x0  }
0x44: {  	[sflag:s16] =	ssyncadd.s32 $0xFFFFFF80  }
0x45: {  	[tilespmem:s19], [sflag:$0x1] =	stream.indirect.gather [hbm4b:s1+s18], $0x80, s6, s18, $0xb8;
	[tilespmem:$0x18400] =	vst v63  }
0x46: {  	_ =	swait.ge [sflag:s20], $0x4000  }
0x47: {  	[sflag:s20] =	ssyncset.done $0x0  }
0x48: {  	[sflag:s20] =	ssyncadd.s32 $0xFFFFC000  }
0x49: {  	[spmem:s4] =	stream.indirect.scatter.add.f32 [tilespmem:s19], [sflag:$0x2], $0x80, s18, s18, $0xb8;
	[tilespmem:$0x18400] =	vst v63  }
0x4a: {  	_ =	swait.ge [sflag:s16], $0x4000  }
.Ltmp0:
0x4b: {  	[sflag:s16] =	ssyncset.done $0x0;
	(pc) =	sbr.rel @p0 .LBB2_2-.Ltmp0, $4  }
0x4c: {  	s25 =	sadd.s32 s29, s14;
	[sflag:s16] =	ssyncadd.s32 $0xFFFFC000  }
0x4d: {  	[spmem:s5] =	stream.indirect.scatter.add.f32 [tilespmem:s21], [sflag:$0x2], $0x1, s18, s18, $0xb8;
	[tilespmem:$0x18400] =	vst v63  }
0x4e: {  	s26 =	sand.u32 $0x70, s29;
	s25 =	sand.u32 $0xFFFFF80, s25;
	_ =	swait.ge [sflag:s16], $0x80  }
0x4f: {  	s25 =	sor.u32 s26, s25;
	s26 =	smov.u32 s30;
	[sflag:s16] =	ssyncset.done $0x0  }
0x50: {  	s26 =	sadd.s32 s7, s25;
	[sflag:s16] =	ssyncadd.s32 $0xFFFFFF80  }
0x51: {  	[tilespmem:s6], [sflag:$0x2] =	stream.linear.gather [hbm4b:s26+s6], $0x80, $0x38;
	[tilespmem:$0x18400] =	vst v63  }
0x52: {  	_ =	swait.ge [sflag:s16], $0x80  }
0x53: {  	[sflag:s16] =	ssyncset.done $0x0  }
0x54: {  	s31 =	sadd.s32 s3, s25;
	[sflag:s16] =	ssyncadd.s32 $0xFFFFFF80  }
0x55: {  	[tilespmem:s18], [sflag:$0x2] =	stream.linear.gather [hbm4b:s31+s6], $0x80, $0x38;
	[tilespmem:$0x18400] =	vst v63  }
0x56: {  	_ =	swait.ge [sflag:s16], $0x80  }
0x57: {  	[sflag:s16] =	ssyncset.done $0x0  }
0x58: {  	[sflag:s16] =	ssyncadd.s32 $0xFFFFFF80  }
0x59: {  	[tilespmem:s19], [sflag:$0x1] =	stream.indirect.gather [hbm4b:s1+s18], $0x80, s6, s18, $0xb8;
	[tilespmem:$0x18400] =	vst v63  }
0x5a: {  	_ =	swait.ge [sflag:s20], $0x4000  }
0x5b: {  	[sflag:s20] =	ssyncset.done $0x0  }
0x5c: {  	[sflag:s20] =	ssyncadd.s32 $0xFFFFC000  }
0x5d: {  	[spmem:s4] =	stream.indirect.scatter.add.f32 [tilespmem:s19], [sflag:$0x2], $0x80, s18, s18, $0xb8;
	[tilespmem:$0x18400] =	vst v63  }
0x5e: {  	_ =	swait.ge [sflag:s16], $0x4000  }
0x5f: {  	[sflag:s16] =	ssyncset.done $0x0  }
0x60: {  	[sflag:s16] =	ssyncadd.s32 $0xFFFFC000  }
0x61: {  	[spmem:s5] =	stream.indirect.scatter.add.f32 [tilespmem:s21], [sflag:$0x2], $0x1, s18, s18, $0xb8;
	[tilespmem:$0x18400] =	vst v63  }
0x62: {  	_ =	swait.ge [sflag:s16], $0x80  }
0x63: {  	[sflag:s16] =	ssyncset.done $0x0  }
0x64: {  	[sflag:s16] =	ssyncadd.s32 $0xFFFFFF80  }
0x65: {  	[bflag:$0x0] =	sbarrier.arrive $0xFFFF  }
0x66: {  	[hbm:s11], [sflag:s9] =	dma.local [spmem:s15], $0x2800  }
0x67: {  	s24 =	sadd.s32 $0x1, s24;
	_ =	swait.ge [sflag:s16], $0x2800  }
0x68: {  	p0 =	sne.s32 s24, s13;
	[sflag:s16] =	ssyncset.done $0x0  }
.Ltmp1:
0x69: {  	[sflag:s16] =	ssyncadd.s32 $0xFFFFD800;
	(pc) =	sbr.rel @p0 .LBB2_1-.Ltmp1, $4  }
0x6a: {  	[hbm:s12@s22], [sflag:s9] =	dma.strided [spmem:s17@s23], $0x50, s20, $0x10   }
0x6b: {  	_ =	swait.ge [sflag:s16], $0x50  }
0x6c: {  	[sflag:s16] =	ssyncset.done $0x0  }
0x6d: {  	[sflag:s16] =	ssyncadd.s32 $0xFFFFFFB0  }
0x6e: {  	_ =	sfence.sel $0x180000  }
0x6f: {  	[bflag:$0x0] =	sbarrier.arrive $0xFFFF  }
0x70: {  	p0 =	sne.s32 s2, $0x0;
	_ =	strace $0x90000047  }
0x71: {  	s0 =	sadd.s32 @!p0 $0x100000, s0;
	[bflag:$0x2] =	sbarrier.arrive $0xFFFF  }
0x72: {  	[sflag:s0] =	ssyncadd.tile.s32 @!p0 $0x1;
	_ =	shalt  }
.Lfunc_end2:
_tile_overlayer_lowered:
.L_overlay_start_2:
0x73: {  	(tag) =	ssettag $0x2  }
0x74: {  	s0 =	rddreg [dreg:$0x0];
	s2 =	stileid.u32  }
0x75: {  	s1 =	rddreg [dreg:$0x1];
	p0 =	sne.s32 s2, $0x0  }
0x76: {  	s3 =	rddreg [dreg:$0x2];
	[bflag:$0x3] =	sbarrier.arrive $0xFFFF;
	s2 =	simm.s32 @!p0 $0x1C02  }
0x77: {  	[timem:s3], [sflag:s2] =	dma.local @!p0 [hbm:s0], s1  }
0x78: {  	s0 =	simm.s32 @!p0 $0x2  }
0x79: {  	_ =	swait.ge @!p0 [sflag:s0], s1  }
0x7a: {  	s1 =	ssub.s32 @!p0 $0x0, s1;
	[sflag:s0] =	ssyncset.done @!p0 $0x0  }
0x7b: {  	[sflag:s0] =	ssyncadd.s32 @!p0 s1  }
0x7c: {  	[bflag:$0x3] =	sbarrier.arrive $0xFFFF  }
0x7d: {  	_ =	shalt  }

// kernel: kernel.9.cloned.1.call-start
scs
__scs_entry_jumppad:
0x0: {  	(pc) =	sbr.rel $0x88, $3  }
0x1: {  	(tag) =	ssettag $0x0;
	lr =	simm.s32 $0x1  }
0x2: {  	[smem:$0x3F99] =	sst lr;
	_ =	strace $0xD0000000  }
0x3: {  	_ = 	snop  }
0x4: {  	_ = 	snop  }
0x5: {  	_ = 	snop  }
0x6: {  	_ = 	snop  }
0x7: {  	_ = 	snop  }
__scs_overlays_trampoline_lowered:
0x8: {  	[smem:$0x3FA8] =	sst s0  }
0x9: {  	[smem:$0x3FA9] =	sst s1  }
0xa: {  	[smem:$0x3FAA] =	sst s2  }
0xb: {  	[smem:$0x3FAB] =	sst s3  }
0xc: {  	[smem:$0x3FAC] =	sst s4  }
0xd: {  	[smem:$0x3FAD] =	sst s5  }
0xe: {  	[smem:$0x3FAE] =	sst s6  }
0xf: {  	[smem:$0x3FAF] =	sst s7  }
0x10: {  	[smem:$0x3FB0] =	sst s8  }
0x11: {  	[smem:$0x3FB1] =	sst s9;
	s0 =	simm.s32 @!p0 $0x0  }
0x12: {  	s1 =	sld [smem:$0x3F97];
	s0 =	simm.s32 @p0 $0x1  }
0x13: {  	[smem:$0x3FB2] =	sst s0;
	s0 =	simm.s32 @!p1 $0x0  }
0x14: {  	s2 =	sld [smem:$0x3F96];
	s0 =	simm.s32 @p1 $0x1  }
0x15: {  	[smem:$0x3FB3] =	sst s0;
	s0 =	simm.s32 @!p2 $0x0  }
0x16: {  	s3 =	sld [smem:$0x3FDB];
	s0 =	simm.s32 @p2 $0x1  }
0x17: {  	s4 =	simm.s32 $0x1BF5;
	[smem:$0x3FB5] =	sst s0  }
0x18: {  	s0 =	sld [smem:$0x3F98];
	_ =	swait.ge [sflag:s4], $0x0  }
0x19: {  	s7 =	sld [smem:$0x3F99]  }
0x1a: {  	s8 =	sadd.s32 $0xFFFFE003, lr  }
0x1b: {  	s9 =	sadd.s32 $0xFFFFFEF7, lr;
	s5 =	simm.s32 $0xFFFFFFFF;
	p2 =	slt.u32 s8, $0xFFFFF086  }
0x1c: {  	p1 =	slt.u32 s9, $0xF7A;
	s5 =	simm.s32 @!p2 $0x0  }
0x1d: {  	s5 =	simm.s32 @p1 $0x1;
	p0 =	seq.s32 s7, s2  }
0x1e: {  	s7 =	smul.u32 @!p0 $0xF7A, s2;
	p2 =	seq.s32 @!p0 s5, $0x0  }
0x1f: {  	s9 =	smul.u32 $0xF7A, s1;
	s8 =	simm.s32 @!p0 $0x1BF5;
	p2 =	por !p2, p0  }
0x20: {  	[sflag:s8] =	ssyncset.s32 @!p0 $0xFFFFF086;
	s6 =	sadd.s32 @!p0 s3, s7;
	s7 =	simm.s32 @!p0 $0x108  }
0x21: {  	s3 =	sadd.s32 s3, s9;
	s6 =	sadd.s32 @!p0 $0x88, s6;
	s7 =	simm.s32 @p2 $0x1082  }
0x22: {  	[simem:s7], [sflag:s8] =	dma.local @!p0 [hbm:s6], $0xF7A  }
0x23: {  	s9 =	sor.u32 $0xD0000000, s2;
	s6 =	simm.s32 $0x108;
	_ =	swait.ge @!p0 [sflag:s8], $0x0  }
0x24: {  	s3 =	sadd.s32 $0x88, s3;
	s6 =	simm.s32 @!p1 $0x1082;
	[sflag:s4] =	ssyncset.s32 $0xFFFFF086  }
0x25: {  	[simem:s6], [sflag:s4] =	dma.local [hbm:s3], $0xF7A  }
0x26: {  	[smem:$0x3F99] =	sst s1;
	(tag) =	ssettag s2;
	_ =	strace s9  }
0x27: {  	s1 =	sld [smem:$0x3FA9]  }
0x28: {  	s2 =	sld [smem:$0x3FAA]  }
0x29: {  	s4 =	sld [smem:$0x3FAC]  }
0x2a: {  	p0 =	seq.s32 s5, $0x0;
	s5 =	sld [smem:$0x3FAD]  }
0x2b: {  	s6 =	sld [smem:$0x3FAE]  }
0x2c: {  	s7 =	sld [smem:$0x3FAF]  }
0x2d: {  	s3 =	simm.s32 $0x108;
	s8 =	sld [smem:$0x3FB0]  }
0x2e: {  	s3 =	simm.s32 @!p0 $0x1082;
	s9 =	sld [smem:$0x3FB1]  }
0x2f: {  	lr =	sadd.s32 s0, s3;
	s0 =	sld [smem:$0x3FA8]  }
0x30: {  	s3 =	sld [smem:$0x3FAB]  }
0x31: {  	[smem:$0x3FB4] =	sst s10  }
0x32: {  	s10 =	sld [smem:$0x3FB2];
	_ =	sdelay $0x3  }
0x33: {  	p0 =	seq.s32 s10, $0x1;
	s10 =	sld [smem:$0x3FB4];
	_ =	sdelay $0x3  }
0x34: {  	[smem:$0x3FB4] =	sst s10  }
0x35: {  	s10 =	sld [smem:$0x3FB3];
	_ =	sdelay $0x3  }
0x36: {  	p1 =	seq.s32 s10, $0x1;
	s10 =	sld [smem:$0x3FB4];
	_ =	sdelay $0x3  }
0x37: {  	[smem:$0x3FB4] =	sst s10  }
0x38: {  	s10 =	sld [smem:$0x3FB5]  }
0x39: {  	_ = 	snop;
	(pc) =	sbr.ind lr, $3  }
0x3a: {  	_ = 	snop  }
0x3b: {  	_ = 	snop  }
0x3c: {  	p2 =	seq.s32 s10, $0x1;
	s10 =	sld [smem:$0x3FB4]  }
0x3d: {  	_ =	shalt  }
0x3e: {  	_ =	shalt  }
0x3f: {  	_ =	shalt  }
0x40: {  	_ =	shalt  }
0x41: {  	_ =	shalt  }
0x42: {  	_ =	shalt  }
0x43: {  	_ =	shalt  }
0x44: {  	_ =	shalt  }
0x45: {  	_ =	shalt  }
0x46: {  	_ =	shalt  }
0x47: {  	_ =	shalt  }
0x48: {  	_ =	shalt  }
0x49: {  	_ =	shalt  }
0x4a: {  	_ =	shalt  }
0x4b: {  	_ =	shalt  }
0x4c: {  	_ =	shalt  }
0x4d: {  	_ =	shalt  }
0x4e: {  	_ =	shalt  }
0x4f: {  	_ =	shalt  }
0x50: {  	_ =	shalt  }
0x51: {  	_ =	shalt  }
0x52: {  	_ =	shalt  }
0x53: {  	_ =	shalt  }
0x54: {  	_ =	shalt  }
0x55: {  	_ =	shalt  }
0x56: {  	_ =	shalt  }
0x57: {  	_ =	shalt  }
0x58: {  	_ =	shalt  }
0x59: {  	_ =	shalt  }
0x5a: {  	_ =	shalt  }
0x5b: {  	_ =	shalt  }
0x5c: {  	_ =	shalt  }
0x5d: {  	_ =	shalt  }
0x5e: {  	_ =	shalt  }
0x5f: {  	_ =	shalt  }
0x60: {  	_ =	shalt  }
0x61: {  	_ =	shalt  }
0x62: {  	_ =	shalt  }
0x63: {  	_ =	shalt  }
0x64: {  	_ =	shalt  }
0x65: {  	_ =	shalt  }
0x66: {  	_ =	shalt  }
0x67: {  	_ =	shalt  }
0x68: {  	_ =	shalt  }
0x69: {  	_ =	shalt  }
0x6a: {  	_ =	shalt  }
0x6b: {  	_ =	shalt  }
0x6c: {  	_ =	shalt  }
0x6d: {  	_ =	shalt  }
0x6e: {  	_ =	shalt  }
0x6f: {  	_ =	shalt  }
0x70: {  	_ =	shalt  }
0x71: {  	_ =	shalt  }
0x72: {  	_ =	shalt  }
0x73: {  	_ =	shalt  }
0x74: {  	_ =	shalt  }
0x75: {  	_ =	shalt  }
0x76: {  	_ =	shalt  }
0x77: {  	_ =	shalt  }
0x78: {  	_ =	shalt  }
0x79: {  	_ =	shalt  }
0x7a: {  	_ =	shalt  }
0x7b: {  	_ =	shalt  }
0x7c: {  	_ =	shalt  }
0x7d: {  	_ =	shalt  }
0x7e: {  	_ =	shalt  }
0x7f: {  	_ =	shalt  }
0x80: {  	_ =	shalt  }
0x81: {  	_ =	shalt  }
0x82: {  	_ =	shalt  }
0x83: {  	_ =	shalt  }
0x84: {  	_ =	shalt  }
0x85: {  	_ =	shalt  }
0x86: {  	_ =	shalt  }
0x87: {  	_ =	shalt  }
.Lfunc_end0:
.L_simem_size_0:
called_computation.1_lowered:
.L_overlay_start_0:
0x88: {  	s2 =	sld [smem:$0x3FD9]  }
0x89: {  	s3 =	sld [smem:$0x3FFE];
	_ =	sdelay $0x1  }
0x8a: {  	s1 =	srdreg.scid  }
0x8b: {  	s0 =	sand.u32 $0x1, s1  }
0x8c: {  	s17 =	sshll.u32 s0, $0xA;
	s2 =	sadd.s32 s3, s2  }
0x8d: {  	s2 =	sadd.s32 s2, s17  }
0x8e: {  	[smem:$0x3FC0] =	sst s2  }
0x8f: {  	_ = 	snop  }
0x90: {  	s2 =	sld [smem:$0x3FD0];
	(tm) =	ssettm $0x1  }
0x91: {  	s18 =	sld [smem:$0x3FFB];
	_ =	sdelay $0x3  }
0x92: {  	_ =	strace s18  }
0x93: {  	s3 =	sld [smem:$0x3FFC];
	_ =	sdelay $0x3  }
0x94: {  	_ =	strace s3  }
0x95: {  	s3 =	sld [smem:$0x3FFD];
	_ =	sdelay $0x3  }
0x96: {  	_ =	strace s3  }
0x97: {  	_ =	strace $0x8FFFFFFF  }
0x98: {  	s19 =	sld [smem:$0x3FDB];
	_ =	sdelay $0x1  }
0x99: {  	s4 =	simm.s32 $_scs_section_size  }
0x9a: {  	s5 =	simm.s32 $_size__tile_overlayer_lowered;
	s6 =	simm.s32 $_tile_overlayer_lowered  }
0x9b: {  	s22 =	simm.s32 $0x1BFF;
	s21 =	sshll.u32 s6, $0x1;
	s3 =	sadd.s32 s4, s19  }
0x9c: {  	s7 =	simm.s32 $0x0;
	s20 =	sshll.u32 s5, $0x1;
	s5 =	sadd.s32 s21, s3  }
0x9d: {  	[timem:s7], [sflag:s22] =	dma.local [hbm:s5], s20  }
0x9e: {  	_ =	swait.ge [sflag:s22], s20  }
0x9f: {  	s4 =	ssub.s32 $0x0, s20;
	[sflag:s22] =	ssyncset.done $0x0  }
0xa0: {  	[sflag:s22] =	ssyncadd.s32 s4;
	_ =	sdelay $0x1  }
0xa1: {  	s23 =	simm.s32 $0x1B8B  }
0xa2: {  	_ =	swait.ge [sflag:s23], $0x1  }
0xa3: {  	[sflag:s23] =	ssyncset.done $0x0  }
0xa4: {  	s25 =	simm.s32 $0x1B8E;
	s24 =	sld [smem:$0x3FFE];
	[sflag:s23] =	ssyncadd.s32 $0xFFFFFFFF  }
0xa5: {  	s26 =	simm.s32 $execute0_lowered;
	[smem:$0x3FD2] =	sst s25  }
0xa6: {  	s5 =	sshll.u32 s26, $0x1;
	_ =	strace $0x80000049;
	[dreg:$0x1] =	wrdreg $0xFFFFFFFF  }
0xa7: {  	s28 =	simm.s32 $_size_execute0_lowered;
	s3 =	sadd.s32 s3, s5;
	[dreg:$0x0] =	wrdreg $0x0  }
0xa8: {  	s5 =	sshll.u32 s28, $0x1;
	[dreg:$0x2] =	wrdreg s3  }
0xa9: {  	[dreg:$0x3] =	wrdreg s5  }
0xaa: {  	[dreg:$0x4] =	wrdreg $0xC0  }
0xab: {  	_ =	task [dreg:s7], $0x5FFFF  }
0xac: {  	[dreg:$0x1] =	wrdreg $0xFFFFFFFF  }
0xad: {  	[dreg:$0x0] =	wrdreg $0x60  }
0xae: {  	[dreg:$0x2] =	wrdreg s2  }
0xaf: {  	[dreg:$0x3] =	wrdreg s24  }
0xb0: {  	[dreg:$0x4] =	wrdreg $0x21000  }
0xb1: {  	[dreg:$0x5] =	wrdreg $0x9  }
0xb2: {  	_ =	task.clear_ibuf [dreg:s7], $0x6FFFF;
	_ =	strace $0x90000049  }
0xb3: {  	s29 =	simm.s32 $0x9;
	_ =	strace $0x8000004B  }
0xb4: {  	_ =	swait.ge [sflag:s29], $0x1  }
0xb5: {  	[sflag:s29] =	ssyncadd.s32 $0xFFFFFFFF  }
0xb6: {  	_ =	strace $0x9000004B  }
0xb7: {  	_ =	sfence  }
0xb8: {  	s30 =	sld [smem:$0x0];
	_ =	sdelay $0x2  }
0xb9: {  	s31 =	sshll.u32 s1, $0xD;
	s1 =	sshrl.u32 s1, $0x2  }
0xba: {  	s3 =	sand.u32 $0x4000, s31;
	s1 =	sadd.s32 s1, s30  }
0xbb: {  	s0 =	sor.u32 s3, s0;
	s1 =	sshll.u32 s1, $0x11  }
0xbc: {  	s0 =	sor.u32 s1, s0  }
0xbd: {  	s0 =	sadd.s32 $0x8F2B, s0  }
0xbe: {  	[sflag:s0] =	ssyncadd.remote.s32 $0x1  }
0xbf: {  	_ =	sfence.sel $0xFFFF  }
0xc0: {  	[dreg:$0x0] =	wrdreg $0xFFFFFFFF;
	(pc) =	sbr.abs _section_cstart, $3  }
0xc1: {  	[dreg:$0x1] =	wrdreg $0xFFFFFFFF  }
0xc2: {  	_ =	task.clear_ibuf [dreg:s7], $0x2FFFF;
	_ =	strace $0x9FFFFFFF  }
0xc3: {  	(tm) =	ssettm $0x7FFFFFFF  }
tec
execute0_lowered:
.L_overlay_start_1:
0x0: {  	(tag) =	ssettag $0x1  }
0x1: {  	s0 =	rddreg [dreg:$0x0]  }
0x2: {  	s5 =	rddreg [dreg:$0x1];
	s1 =	srdreg.scid  }
0x3: {  	s3 =	rddreg [dreg:$0x2];
	s2 =	stileid.u32  }
0x4: {  	s4 =	simm.s32 $0x0;
	s14 =	simm.s32 $0x100;
	s8 =	smul.u32 $0xA000, s2  }
0x5: {  	s15 =	simm.s32 $0x1;
	s6 =	sand.u32 $0x1, s1;
	s12 =	smul.u32 $0x500, s2  }
0x6: {  	s16 =	simm.s32 $0x0;
	s1 =	rddreg [dreg:$0x3];
	s7 =	smul.u32 $0x5000, s6  }
0x7: {  	[smem:$0x7FF] =	sst s4;
	s31 =	sshll.u32 s2, $0x6;
	s9 =	smul.u32 $0xA0000, s6  }
0x8: {  	_ =	strace $0x8000004A;
	s6 =	ssub.s32 $0x2, s6;
	s30 =	sshrl.u32 s8, $0x3  }
0x9: {  	s11 =	sshrl.u32 s6, $0x1;
	s13 =	sadd.s32 s8, s3;
	s10 =	sadd.s32 s7, s5  }
0xa: {  	s9 =	sadd.s32 s8, s9;
	s7 =	sadd.s32 s30, s5;
	s11 =	ssub.s32 s6, s11  }
0xb: {  	s6 =	sor.u32 $0x1C02, s31;
	s9 =	sshrl.u32 s9, $0x3;
	s10 =	sadd.s32 s12, s10  }
0xc: {  	s8 =	smax.u32 s11, $0x1;
	s11 =	sshrl.u32 s13, $0x3;
	s12 =	simm.s32 $0x2  }
0xd: {  	s13 =	simm.s32 $0x80;
	s9 =	sadd.s32 s9, s5;
	s5 =	sadd.s32 $0x47600, s7  }
0xe: {  	s7 =	sadd.s32 $0x5B600, s9;
	s9 =	sadd.s32 $0xBE00, s10;
	s10 =	sadd.s32 $0x15E00, s10  }
.LBB2_1:
0xf: {  	[spmem:s11], [sflag:s6] =	dma.local [hbm:s5], $0x1400  }
0x10: {  	_ =	swait.ge [sflag:s12], $0x1400  }
0x11: {  	[sflag:s12] =	ssyncset.done $0x0  }
0x12: {  	[sflag:s12] =	ssyncadd.s32 $0xFFFFEC00  }
0x13: {  	s17 =	sadd.s32 $0x0, s10;
	[bflag:$0x0] =	sbarrier.arrive $0xFFFF  }
0x14: {  	[tilespmem:s4], [sflag:$0x2] =	stream.linear.gather [hbm4b:s17+s4], $0x80, $0x38;
	[tilespmem:$0xC100] =	vst v63  }
0x15: {  	_ =	swait.ge [sflag:s12], $0x80  }
0x16: {  	[sflag:s12] =	ssyncset.done $0x0  }
0x17: {  	s31 =	sadd.s32 $0x0, s9;
	[sflag:s12] =	ssyncadd.s32 $0xFFFFFF80  }
0x18: {  	[tilespmem:s13], [sflag:$0x2] =	stream.linear.gather [hbm4b:s31+s4], $0x80, $0x38;
	[tilespmem:$0xC100] =	vst v63  }
0x19: {  	_ =	swait.ge [sflag:s12], $0x80  }
0x1a: {  	[sflag:s12] =	ssyncset.done $0x0  }
0x1b: {  	[sflag:s12] =	ssyncadd.s32 $0xFFFFFF80  }
0x1c: {  	[tilespmem:s14], [sflag:$0x1] =	stream.indirect.gather [hbm4b:s0+s13], $0x40, s4, s13, $0xb8;
	[tilespmem:$0xC100] =	vst v63  }
0x1d: {  	_ =	swait.ge [sflag:s15], $0x2000  }
0x1e: {  	[sflag:s15] =	ssyncset.done $0x0  }
0x1f: {  	[sflag:s15] =	ssyncadd.s32 $0xFFFFE000  }
0x20: {  	[spmem:s3] =	stream.indirect.scatter.add.f32 [tilespmem:s14], [sflag:$0x2], $0x40, s13, s13, $0xb8;
	[tilespmem:$0xC100] =	vst v63  }
0x21: {  	_ =	swait.ge [sflag:s12], $0x2000  }
0x22: {  	s18 =	simm.s32 $0x20;
	s17 =	simm.s32 $0x10;
	[sflag:s12] =	ssyncset.done $0x0  }
.LBB2_2:
0x23: {  	s19 =	sadd.s32 s17, s10  }
0x24: {  	[sflag:s12] =	ssyncadd.s32 $0xFFFFE000;
	s20 =	smov.u32 s18;
	s21 =	sadd.s32 $0x10, s18  }
0x25: {  	[tilespmem:s4], [sflag:$0x2] =	stream.linear.gather [hbm4b:s19+s4], $0x80, $0x38;
	[tilespmem:$0xC100] =	vst v63  }
0x26: {  	p0 =	sne.s32 s18, $0x4F0;
	_ =	swait.ge [sflag:s12], $0x80  }
0x27: {  	[sflag:s12] =	ssyncset.done $0x0  }
0x28: {  	s18 =	sadd.s32 s17, s9;
	s17 =	smov.u32 s20;
	[sflag:s12] =	ssyncadd.s32 $0xFFFFFF80  }
0x29: {  	[tilespmem:s13], [sflag:$0x2] =	stream.linear.gather [hbm4b:s18+s4], $0x80, $0x38;
	[tilespmem:$0xC100] =	vst v63  }
0x2a: {  	_ =	swait.ge [sflag:s12], $0x80  }
0x2b: {  	[sflag:s12] =	ssyncset.done $0x0  }
0x2c: {  	[sflag:s12] =	ssyncadd.s32 $0xFFFFFF80  }
0x2d: {  	[tilespmem:s14], [sflag:$0x1] =	stream.indirect.gather [hbm4b:s0+s13], $0x40, s4, s13, $0xb8;
	[tilespmem:$0xC100] =	vst v63  }
0x2e: {  	_ =	swait.ge [sflag:s15], $0x2000  }
.Ltmp0:
0x2f: {  	[sflag:s15] =	ssyncset.done $0x0;
	(pc) =	sbr.rel @p0 .LBB2_2-.Ltmp0, $4  }
0x30: {  	[sflag:s15] =	ssyncadd.s32 $0xFFFFE000  }
0x31: {  	[spmem:s3] =	stream.indirect.scatter.add.f32 [tilespmem:s14], [sflag:$0x2], $0x40, s13, s13, $0xb8;
	[tilespmem:$0xC100] =	vst v63  }
0x32: {  	_ =	swait.ge [sflag:s12], $0x2000  }
0x33: {  	s18 =	smov.u32 s21;
	[sflag:s12] =	ssyncset.done $0x0  }
0x34: {  	s18 =	sadd.s32 s17, s10;
	[sflag:s12] =	ssyncadd.s32 $0xFFFFE000  }
0x35: {  	[tilespmem:s4], [sflag:$0x2] =	stream.linear.gather [hbm4b:s18+s4], $0x80, $0x38;
	[tilespmem:$0xC100] =	vst v63  }
0x36: {  	_ =	swait.ge [sflag:s12], $0x80  }
0x37: {  	[sflag:s12] =	ssyncset.done $0x0  }
0x38: {  	s31 =	sadd.s32 s17, s9;
	[sflag:s12] =	ssyncadd.s32 $0xFFFFFF80  }
0x39: {  	[tilespmem:s13], [sflag:$0x2] =	stream.linear.gather [hbm4b:s31+s4], $0x80, $0x38;
	[tilespmem:$0xC100] =	vst v63  }
0x3a: {  	_ =	swait.ge [sflag:s12], $0x80  }
0x3b: {  	[sflag:s12] =	ssyncset.done $0x0  }
0x3c: {  	[sflag:s12] =	ssyncadd.s32 $0xFFFFFF80  }
0x3d: {  	[tilespmem:s14], [sflag:$0x1] =	stream.indirect.gather [hbm4b:s0+s13], $0x40, s4, s13, $0xb8;
	[tilespmem:$0xC100] =	vst v63  }
0x3e: {  	_ =	swait.ge [sflag:s15], $0x2000  }
0x3f: {  	[sflag:s15] =	ssyncset.done $0x0  }
0x40: {  	[sflag:s15] =	ssyncadd.s32 $0xFFFFE000  }
0x41: {  	[spmem:s3] =	stream.indirect.scatter.add.f32 [tilespmem:s14], [sflag:$0x2], $0x40, s13, s13, $0xb8;
	[tilespmem:$0xC100] =	vst v63  }
0x42: {  	_ =	swait.ge [sflag:s12], $0x2000  }
0x43: {  	s16 =	sadd.s32 $0x1, s16;
	[sflag:s12] =	ssyncset.done $0x0  }
0x44: {  	p0 =	sne.s32 s16, s8;
	[sflag:s12] =	ssyncadd.s32 $0xFFFFE000  }
.Ltmp1:
0x45: {  	[bflag:$0x0] =	sbarrier.arrive $0xFFFF;
	(pc) =	sbr.rel @p0 .LBB2_1-.Ltmp1, $4  }
0x46: {  	[hbm:s7], [sflag:s6] =	dma.local [spmem:s11], $0x1400  }
0x47: {  	_ =	swait.ge [sflag:s12], $0x1400  }
0x48: {  	[sflag:s12] =	ssyncset.done $0x0  }
0x49: {  	[sflag:s12] =	ssyncadd.s32 $0xFFFFEC00  }
0x4a: {  	_ =	sfence.sel $0x180000  }
0x4b: {  	[bflag:$0x0] =	sbarrier.arrive $0xFFFF  }
0x4c: {  	p0 =	sne.s32 s2, $0x0;
	_ =	strace $0x9000004A  }
0x4d: {  	s0 =	sadd.s32 @!p0 $0x100000, s1;
	[bflag:$0x2] =	sbarrier.arrive $0xFFFF  }
0x4e: {  	[sflag:s0] =	ssyncadd.tile.s32 @!p0 $0x1;
	_ =	shalt  }
.Lfunc_end2:
_tile_overlayer_lowered:
.L_overlay_start_2:
0x4f: {  	(tag) =	ssettag $0x2  }
0x50: {  	s0 =	rddreg [dreg:$0x0];
	s2 =	stileid.u32  }
0x51: {  	s1 =	rddreg [dreg:$0x1];
	p0 =	sne.s32 s2, $0x0  }
0x52: {  	s3 =	rddreg [dreg:$0x2];
	[bflag:$0x3] =	sbarrier.arrive $0xFFFF;
	s2 =	simm.s32 @!p0 $0x1C02  }
0x53: {  	[timem:s3], [sflag:s2] =	dma.local @!p0 [hbm:s0], s1  }
0x54: {  	s0 =	simm.s32 @!p0 $0x2  }
0x55: {  	_ =	swait.ge @!p0 [sflag:s0], s1  }
0x56: {  	s1 =	ssub.s32 @!p0 $0x0, s1;
	[sflag:s0] =	ssyncset.done @!p0 $0x0  }
0x57: {  	[sflag:s0] =	ssyncadd.s32 @!p0 s1  }
0x58: {  	[bflag:$0x3] =	sbarrier.arrive $0xFFFF  }
0x59: {  	_ =	shalt  }

</sc_bundles>
